<compile_context>
chip_gen: v7x
topology: tpu7x:2x2x1
jax: 0.10.2.dev20260603
libtpu: 0.0.44.dev20260713+nightly
codegen_flags: <defaults>
</compile_context>

<pallas_src>
import functools

import jax
import jax.numpy as jnp
import numpy as np
from jax import lax
from jax.experimental import pallas as pl
from jax.experimental.pallas import tpu as pltpu
from jax.experimental.pallas import tpu_sc as plsc

_KH, _KW = 7, 7
_NBINS = _KH * _KW
_NLANE = 16
_NGRP = 4
_H = _W = 128
_C = 256
_N = 5000
_NWORK = 32
_BPW = 160
_NPAD = _NWORK * _BPW



def _body(feat, boxes_f, out, bxv, ib0, ib1, ib2, ib3, rb0, rb1, rb2, rb3,
          ob, gsem):
    wid = lax.axis_index("s") * 2 + lax.axis_index("c")
    start = wid * _BPW
    pltpu.sync_copy(boxes_f.at[pl.ds(start * 4, _BPW * 4)], bxv)

    lane = jnp.arange(_NLANE, dtype=jnp.int32)

    def box_body(b, _):
        @pl.when(start + b < _N)
        def _():
            bsplat = jnp.full((_NLANE,), 4 * b, jnp.int32)
            r0 = plsc.load_gather(bxv, [bsplat])
            r1 = plsc.load_gather(bxv, [bsplat + 1])
            r2 = plsc.load_gather(bxv, [bsplat + 2])
            r3 = plsc.load_gather(bxv, [bsplat + 3])
            ymin = jnp.minimum(r0, r2)
            ymax = jnp.maximum(r0, r2)
            xmin = jnp.minimum(r1, r3)
            xmax = jnp.maximum(r1, r3)

            wv = []
            for g in range(_NGRP):
                binv = lane + (g * _NLANE)
                ky = (binv * 37) >> 8
                kx = binv - ky * _KW
                gy = (ky.astype(jnp.float32) + 0.5) / np.float32(_KH)
                gx = (kx.astype(jnp.float32) + 0.5) / np.float32(_KW)
                py = (ymin + (ymax - ymin) * gy) * np.float32(_H - 1)
                px = (xmin + (xmax - xmin) * gx) * np.float32(_W - 1)
                y0f = py.astype(jnp.int32)
                x0f = px.astype(jnp.int32)
                wy = py - y0f.astype(jnp.float32)
                wx = px - x0f.astype(jnp.float32)
                y0 = jnp.minimum(y0f, _H - 1)
                x0 = jnp.minimum(x0f, _W - 1)
                y1c = jnp.minimum(y0 + 1, _H - 1)
                x1c = jnp.minimum(x0 + 1, _W - 1)
                i00 = y0 * _W + x0
                i01 = y0 * _W + x1c
                i10 = y1c * _W + x0
                i11 = y1c * _W + x1c
                sl = pl.ds(g * _NLANE, _NLANE)
                ib0[sl] = i00
                ib1[sl] = i01
                ib2[sl] = i10
                ib3[sl] = i11
                omy = 1.0 - wy
                omx = 1.0 - wx
                wv.append((omy * omx, omy * wx, wy * omx, wy * wx))

            ng = 56
            cps = [
                pltpu.async_copy(feat.at[ib.at[pl.ds(0, ng)]],
                                 rb.at[pl.ds(0, ng)], gsem)
                for ib, rb in ((ib0, rb0), (ib1, rb1), (ib2, rb2), (ib3, rb3))
            ]
            for cp in cps:
                cp.wait()

            for g in range(_NGRP):
                roww = lane + (g * _NLANE)
                w00, w01, w10, w11 = wv[g]

                obase = roww * _C

                def c_body(c, _, roww=roww, obase=obase, w00=w00, w01=w01,
                           w10=w10, w11=w11):
                    colv = jnp.full((_NLANE,), c, jnp.int32)
                    f00 = plsc.load_gather(rb0, [roww, colv])
                    f01 = plsc.load_gather(rb1, [roww, colv])
                    f10 = plsc.load_gather(rb2, [roww, colv])
                    f11 = plsc.load_gather(rb3, [roww, colv])
                    acc = w00 * f00 + w01 * f01 + w10 * f10 + w11 * f11
                    plsc.store_scatter(ob, [obase + colv], acc)
                    return 0

                lax.fori_loop(0, _C, c_body, 0)

            pltpu.sync_copy(ob.at[pl.ds(0, _NBINS * _C)],
                            out.at[pl.ds((start + b) * (_NBINS * _C),
                                         _NBINS * _C)])

        return 0

    lax.fori_loop(0, _BPW, box_body, 0)


@jax.jit
def _roialign_sc(feat, boxes_f):
    kfn = pl.kernel(
        _body,
        out_type=jax.ShapeDtypeStruct((_N * _NBINS * _C,), jnp.float32),
        mesh=plsc.VectorSubcoreMesh(core_axis_name="c", subcore_axis_name="s"),
        scratch_types=[
            pltpu.VMEM((_BPW * 4,), jnp.float32),
            pltpu.VMEM((4 * _NLANE,), jnp.int32),
            pltpu.VMEM((4 * _NLANE,), jnp.int32),
            pltpu.VMEM((4 * _NLANE,), jnp.int32),
            pltpu.VMEM((4 * _NLANE,), jnp.int32),
            pltpu.VMEM((_NGRP * _NLANE, _C), jnp.float32),
            pltpu.VMEM((_NGRP * _NLANE, _C), jnp.float32),
            pltpu.VMEM((_NGRP * _NLANE, _C), jnp.float32),
            pltpu.VMEM((_NGRP * _NLANE, _C), jnp.float32),
            pltpu.VMEM((_NGRP * _NLANE * _C,), jnp.float32),
            pltpu.SemaphoreType.DMA,
        ],
        compiler_params=pltpu.CompilerParams(needs_layout_passes=False),
    )
    return kfn(feat, boxes_f)


def kernel(x, boxes):
    feat = x[0].reshape(_H * _W, _C)
    boxes_f = jnp.pad(boxes, ((0, _NPAD - _N), (0, 0))).reshape(-1)
    out = _roialign_sc(feat, jnp.asarray(boxes_f, jnp.float32))
    return out.reshape(_N, _KH, _KW, _C)

# --- scband reference (transcript-rebuilt; emitter-appended) ---
"""Pipeline reference for scband-roialign-80796924773064 (READ-ONLY COPY).

The authoritative reference and input builder live on the scoring server;
editing this copy changes nothing except your own understanding.
"""

import jax, jax.numpy as jnp
import numpy as np

KERNEL_SIZE = (7, 7)


def setup_inputs(seed: int = 0) -> dict:
    key = jax.random.key(seed)
    k1, k2 = jax.random.split(key)
    x = jax.random.normal(k1, (1, 128, 128, 256), dtype=jnp.float32)
    # boxes as normalized [y1, x1, y2, x2] in [0, 1] (the original layer pulls
    # per-batch roi tensors from a queue; we materialize them directly)
    boxes = jax.random.uniform(k2, (5000, 4), dtype=jnp.float32)
    return {"x": x, "boxes": boxes}


def _roi_align(feat, boxes, ksize):
    # feat: [H, W, C]; boxes: [N, 4] normalized coords
    H, W, C = feat.shape
    kh, kw = ksize
    y1 = jnp.minimum(boxes[:, 0], boxes[:, 2])
    y2 = jnp.maximum(boxes[:, 0], boxes[:, 2])
    x1 = jnp.minimum(boxes[:, 1], boxes[:, 3])
    x2 = jnp.maximum(boxes[:, 1], boxes[:, 3])
    # sample one point at the center of each output bin (ROI-Align style)
    gy = (jnp.arange(kh, dtype=jnp.float32) + 0.5) / kh  # [kh]
    gx = (jnp.arange(kw, dtype=jnp.float32) + 0.5) / kw  # [kw]
    ys = y1[:, None] + (y2 - y1)[:, None] * gy[None, :]  # [N, kh]
    xs = x1[:, None] + (x2 - x1)[:, None] * gx[None, :]  # [N, kw]
    py = ys * (H - 1)
    px = xs * (W - 1)
    y0f = jnp.floor(py)
    x0f = jnp.floor(px)
    wy = py - y0f  # [N, kh]
    wx = px - x0f  # [N, kw]
    y0 = jnp.clip(y0f.astype(jnp.int32), 0, H - 1)
    y1i = jnp.clip(y0 + 1, 0, H - 1)
    x0 = jnp.clip(x0f.astype(jnp.int32), 0, W - 1)
    x1i = jnp.clip(x0 + 1, 0, W - 1)
    # bilinear gather of 4 corners -> [N, kh, kw, C]
    f00 = feat[y0[:, :, None], x0[:, None, :]]
    f01 = feat[y0[:, :, None], x1i[:, None, :]]
    f10 = feat[y1i[:, :, None], x0[:, None, :]]
    f11 = feat[y1i[:, :, None], x1i[:, None, :]]
    wy_ = wy[:, :, None, None]
    wx_ = wx[:, None, :, None]
    out = ((1.0 - wy_) * (1.0 - wx_) * f00
           + (1.0 - wy_) * wx_ * f01
           + wy_ * (1.0 - wx_) * f10
           + wy_ * wx_ * f11)
    return out  # [N, kh, kw, C]


def reference(x, boxes):
    feat = x[0]  # [H, W, C]
    return _roi_align(feat, boxes, KERNEL_SIZE)

if __name__ == "__main__":
    import jax
    _d = setup_inputs()
    print(jax.jit(kernel)(*tuple(_d.values())))

</pallas_src>

<mosaic_0001>
#map = affine_map<(d0, d1) -> (0, 0)>
#map1 = affine_map<(d0, d1) -> (0)>
module attributes {stable_mosaic.version = 14 : i64} {
  func.func @_body(%arg0: i32, %arg1: i32, %arg2: memref<16384x256xf32, #tpu.memory_space<hbm>>, %arg3: memref<20480xf32, #tpu.memory_space<hbm>>, %arg4: memref<62720000xf32, #tpu.memory_space<hbm>>, %arg5: memref<640xf32, #tpu.memory_space<vmem>>, %arg6: memref<64xi32, #tpu.memory_space<vmem>>, %arg7: memref<64xi32, #tpu.memory_space<vmem>>, %arg8: memref<64xi32, #tpu.memory_space<vmem>>, %arg9: memref<64xi32, #tpu.memory_space<vmem>>, %arg10: memref<64x256xf32, #tpu.memory_space<vmem>>, %arg11: memref<64x256xf32, #tpu.memory_space<vmem>>, %arg12: memref<64x256xf32, #tpu.memory_space<vmem>>, %arg13: memref<64x256xf32, #tpu.memory_space<vmem>>, %arg14: memref<16384xf32, #tpu.memory_space<vmem>>, %arg15: memref<!tpu.dma_semaphore, #tpu.memory_space<semaphore_mem>>) attributes {dimension_semantics = [#tpu.dimension_semantics<core_parallel>, #tpu.dimension_semantics<subcore_parallel>], iteration_bounds = array<i64: 2, 16>, scalar_prefetch = 0 : i64, scratch_operands = 11 : i64, tpu.core_type = #tpu.core_type<sc_vector_subcore>, window_params = [{transform_indices = #map}, {transform_indices = #map1}, {transform_indices = #map1}]} {
    %mul3A = arith.constant 2 : i32
    %mul3A_0 = arith.muli %arg1, %mul3A : i32
    %add3A = arith.addi %mul3A_0, %arg0 : i32
    %mul3A_1 = arith.constant 160 : i32
    %mul3A_2 = arith.muli %add3A, %mul3A_1 : i32
    %mul3A_3 = arith.constant 4 : i32
    %mul3A_4 = arith.muli %mul3A_2, %mul3A_3 : i32
    "tpu.region"() ({
      %run_scoped3A = tpu.sem_alloc : memref<!tpu.dma_semaphore, #tpu.memory_space<semaphore_mem>>
      %dma_start3A = tpu.memref_slice %arg3[%mul3A_4] : memref<20480xf32, #tpu.memory_space<hbm>> -> memref<640xf32, #tpu.memory_space<hbm>>
      %dma_start3A_11 = tpu.memref_slice %arg3[%mul3A_4] : memref<20480xf32, #tpu.memory_space<hbm>> -> memref<640xf32, #tpu.memory_space<hbm>>
      tpu.enqueue_dma source(%dma_start3A_11 : memref<640xf32, #tpu.memory_space<hbm>>) target(%arg5 : memref<640xf32, #tpu.memory_space<vmem>>) target_semaphore(%run_scoped3A : memref<!tpu.dma_semaphore, #tpu.memory_space<semaphore_mem>>)
      %dma_wait3A = tpu.memref_slice %arg3[%mul3A_4] : memref<20480xf32, #tpu.memory_space<hbm>> -> memref<640xf32, #tpu.memory_space<hbm>>
      %dma_wait3A_12 = tpu.memref_slice %arg3[%mul3A_4] : memref<20480xf32, #tpu.memory_space<hbm>> -> memref<640xf32, #tpu.memory_space<hbm>>
      tpu.wait_dma2 semaphore(%run_scoped3A : memref<!tpu.dma_semaphore, #tpu.memory_space<semaphore_mem>>) src(%dma_wait3A_12 : memref<640xf32, #tpu.memory_space<hbm>>) dst(%arg5 : memref<640xf32, #tpu.memory_space<vmem>>)
      tpu.yield
    }) : () -> ()
    %iota3A = tpu.iota {dimensions = array<i32: 0>} : vector<16xi32>
    %scan3A = arith.constant 0 : i32
    %scan3A_5 = arith.constant 0 : i32
    %scan3A_6 = arith.constant 160 : i32
    %scan3A_7 = arith.addi %scan3A_5, %scan3A_6 : i32
    %scan3A_8 = arith.constant 1 : i32
    %scan3A_9 = scf.for %scan3A_11 = %scan3A_5 to %scan3A_7 step %scan3A_8 iter_args(%scan3A_12 = %scan3A) -> (i32)  : i32 {
      %add3A_13 = arith.addi %mul3A_2, %scan3A_11 : i32
      %lt3A = arith.constant 5000 : i32
      %lt3A_14 = arith.cmpi slt, %add3A_13, %lt3A : i32
      %convert_element_type3A = arith.extui %lt3A_14 : i1 to i32
      %cond3A = arith.constant 0 : i32
      %cond3A_15 = arith.cmpi ne, %convert_element_type3A, %cond3A : i32
      scf.if %cond3A_15 {
        %mul3A_17 = arith.constant 4 : i32
        %mul3A_18 = arith.muli %mul3A_17, %scan3A_11 : i32
        %broadcast_in_dim3A = vector.broadcast %mul3A_18 : i32 to vector<16xi32>
        %gather3A = tpu.vector_load_idx %arg5[%broadcast_in_dim3A] : memref<640xf32, #tpu.memory_space<vmem>>[vector<16xi32>], vector<16xf32>,
        %add3A_19 = arith.constant 1 : i32
        %add3A_20 = vector.broadcast %add3A_19 : i32 to vector<16xi32>
        %add3A_21 = arith.addi %broadcast_in_dim3A, %add3A_20 : vector<16xi32>
        %gather3A_22 = tpu.vector_load_idx %arg5[%add3A_21] : memref<640xf32, #tpu.memory_space<vmem>>[vector<16xi32>], vector<16xf32>,
        %add3A_23 = arith.constant 2 : i32
        %add3A_24 = vector.broadcast %add3A_23 : i32 to vector<16xi32>
        %add3A_25 = arith.addi %broadcast_in_dim3A, %add3A_24 : vector<16xi32>
        %gather3A_26 = tpu.vector_load_idx %arg5[%add3A_25] : memref<640xf32, #tpu.memory_space<vmem>>[vector<16xi32>], vector<16xf32>,
        %add3A_27 = arith.constant 3 : i32
        %add3A_28 = vector.broadcast %add3A_27 : i32 to vector<16xi32>
        %add3A_29 = arith.addi %broadcast_in_dim3A, %add3A_28 : vector<16xi32>
        %gather3A_30 = tpu.vector_load_idx %arg5[%add3A_29] : memref<640xf32, #tpu.memory_space<vmem>>[vector<16xi32>], vector<16xf32>,
        %min3A = arith.minimumf %gather3A, %gather3A_26 : vector<16xf32>
        %max3A = arith.maximumf %gather3A, %gather3A_26 : vector<16xf32>
        %min3A_31 = arith.minimumf %gather3A_22, %gather3A_30 : vector<16xf32>
        %max3A_32 = arith.maximumf %gather3A_22, %gather3A_30 : vector<16xf32>
        %add3A_33 = arith.constant 0 : i32
        %add3A_34 = vector.broadcast %add3A_33 : i32 to vector<16xi32>
        %add3A_35 = arith.addi %iota3A, %add3A_34 : vector<16xi32>
        %mul3A_36 = arith.constant 37 : i32
        %mul3A_37 = vector.broadcast %mul3A_36 : i32 to vector<16xi32>
        %mul3A_38 = arith.muli %add3A_35, %mul3A_37 : vector<16xi32>
        %shift_right_arithmetic3A = arith.constant 8 : i32
        %shift_right_arithmetic3A_39 = vector.broadcast %shift_right_arithmetic3A : i32 to vector<16xi32>
        %shift_right_arithmetic3A_40 = arith.shrsi %mul3A_38, %shift_right_arithmetic3A_39 : vector<16xi32>
        %mul3A_41 = arith.constant 7 : i32
        %mul3A_42 = vector.broadcast %mul3A_41 : i32 to vector<16xi32>
        %mul3A_43 = arith.muli %shift_right_arithmetic3A_40, %mul3A_42 : vector<16xi32>
        %sub3A = arith.subi %add3A_35, %mul3A_43 : vector<16xi32>
        %convert_element_type3A_44 = arith.sitofp %shift_right_arithmetic3A_40 : vector<16xi32> to vector<16xf32>
        %add3A_45 = arith.constant 5.000000e-01 : f32
        %add3A_46 = vector.broadcast %add3A_45 : f32 to vector<16xf32>
        %add3A_47 = arith.addf %convert_element_type3A_44, %add3A_46 : vector<16xf32>
        %div3A = arith.constant 7.000000e+00 : f32
        %div3A_48 = vector.broadcast %div3A : f32 to vector<16xf32>
        %div3A_49 = arith.divf %add3A_47, %div3A_48 : vector<16xf32>
        %convert_element_type3A_50 = arith.sitofp %sub3A : vector<16xi32> to vector<16xf32>
        %add3A_51 = arith.constant 5.000000e-01 : f32
        %add3A_52 = vector.broadcast %add3A_51 : f32 to vector<16xf32>
        %add3A_53 = arith.addf %convert_element_type3A_50, %add3A_52 : vector<16xf32>
        %div3A_54 = arith.constant 7.000000e+00 : f32
        %div3A_55 = vector.broadcast %div3A_54 : f32 to vector<16xf32>
        %div3A_56 = arith.divf %add3A_53, %div3A_55 : vector<16xf32>
        %sub3A_57 = arith.subf %max3A, %min3A : vector<16xf32>
        %mul3A_58 = arith.mulf %sub3A_57, %div3A_49 : vector<16xf32>
        %add3A_59 = arith.addf %min3A, %mul3A_58 : vector<16xf32>
        %mul3A_60 = arith.constant 1.270000e+02 : f32
        %mul3A_61 = vector.broadcast %mul3A_60 : f32 to vector<16xf32>
        %mul3A_62 = arith.mulf %add3A_59, %mul3A_61 : vector<16xf32>
        %sub3A_63 = arith.subf %max3A_32, %min3A_31 : vector<16xf32>
        %mul3A_64 = arith.mulf %sub3A_63, %div3A_56 : vector<16xf32>
        %add3A_65 = arith.addf %min3A_31, %mul3A_64 : vector<16xf32>
        %mul3A_66 = arith.constant 1.270000e+02 : f32
        %mul3A_67 = vector.broadcast %mul3A_66 : f32 to vector<16xf32>
        %mul3A_68 = arith.mulf %add3A_65, %mul3A_67 : vector<16xf32>
        %convert_element_type3A_69 = arith.fptosi %mul3A_62 : vector<16xf32> to vector<16xi32>
        %convert_element_type3A_70 = arith.fptosi %mul3A_68 : vector<16xf32> to vector<16xi32>
        %convert_element_type3A_71 = arith.sitofp %convert_element_type3A_69 : vector<16xi32> to vector<16xf32>
        %sub3A_72 = arith.subf %mul3A_62, %convert_element_type3A_71 : vector<16xf32>
        %convert_element_type3A_73 = arith.sitofp %convert_element_type3A_70 : vector<16xi32> to vector<16xf32>
        %sub3A_74 = arith.subf %mul3A_68, %convert_element_type3A_73 : vector<16xf32>
        %min3A_75 = arith.constant 127 : i32
        %min3A_76 = vector.broadcast %min3A_75 : i32 to vector<16xi32>
        %min3A_77 = arith.minsi %convert_element_type3A_69, %min3A_76 : vector<16xi32>
        %min3A_78 = arith.constant 127 : i32
        %min3A_79 = vector.broadcast %min3A_78 : i32 to vector<16xi32>
        %min3A_80 = arith.minsi %convert_element_type3A_70, %min3A_79 : vector<16xi32>
        %add3A_81 = arith.constant 1 : i32
        %add3A_82 = vector.broadcast %add3A_81 : i32 to vector<16xi32>
        %add3A_83 = arith.addi %min3A_77, %add3A_82 : vector<16xi32>
        %min3A_84 = arith.constant 127 : i32
        %min3A_85 = vector.broadcast %min3A_84 : i32 to vector<16xi32>
        %min3A_86 = arith.minsi %add3A_83, %min3A_85 : vector<16xi32>
        %add3A_87 = arith.constant 1 : i32
        %add3A_88 = vector.broadcast %add3A_87 : i32 to vector<16xi32>
        %add3A_89 = arith.addi %min3A_80, %add3A_88 : vector<16xi32>
        %min3A_90 = arith.constant 127 : i32
        %min3A_91 = vector.broadcast %min3A_90 : i32 to vector<16xi32>
        %min3A_92 = arith.minsi %add3A_89, %min3A_91 : vector<16xi32>
        %mul3A_93 = arith.constant 128 : i32
        %mul3A_94 = vector.broadcast %mul3A_93 : i32 to vector<16xi32>
        %mul3A_95 = arith.muli %min3A_77, %mul3A_94 : vector<16xi32>
        %add3A_96 = arith.addi %mul3A_95, %min3A_80 : vector<16xi32>
        %mul3A_97 = arith.constant 128 : i32
        %mul3A_98 = vector.broadcast %mul3A_97 : i32 to vector<16xi32>
        %mul3A_99 = arith.muli %min3A_77, %mul3A_98 : vector<16xi32>
        %add3A_100 = arith.addi %mul3A_99, %min3A_92 : vector<16xi32>
        %mul3A_101 = arith.constant 128 : i32
        %mul3A_102 = vector.broadcast %mul3A_101 : i32 to vector<16xi32>
        %mul3A_103 = arith.muli %min3A_86, %mul3A_102 : vector<16xi32>
        %add3A_104 = arith.addi %mul3A_103, %min3A_80 : vector<16xi32>
        %mul3A_105 = arith.constant 128 : i32
        %mul3A_106 = vector.broadcast %mul3A_105 : i32 to vector<16xi32>
        %mul3A_107 = arith.muli %min3A_86, %mul3A_106 : vector<16xi32>
        %add3A_108 = arith.addi %mul3A_107, %min3A_92 : vector<16xi32>
        %swap3A = arith.constant 0 : index
        %swap3A_109 = tpu.vector_load %arg6[%swap3A] {strides = array<i32>} : memref<64xi32, #tpu.memory_space<vmem>>, vector<16xi32>,
        tpu.vector_store %arg6[%swap3A], %add3A_96 {strides = array<i32>} : memref<64xi32, #tpu.memory_space<vmem>>, vector<16xi32>,
        %swap3A_110 = arith.constant 0 : index
        %swap3A_111 = tpu.vector_load %arg7[%swap3A_110] {strides = array<i32>} : memref<64xi32, #tpu.memory_space<vmem>>, vector<16xi32>,
        tpu.vector_store %arg7[%swap3A_110], %add3A_100 {strides = array<i32>} : memref<64xi32, #tpu.memory_space<vmem>>, vector<16xi32>,
        %swap3A_112 = arith.constant 0 : index
        %swap3A_113 = tpu.vector_load %arg8[%swap3A_112] {strides = array<i32>} : memref<64xi32, #tpu.memory_space<vmem>>, vector<16xi32>,
        tpu.vector_store %arg8[%swap3A_112], %add3A_104 {strides = array<i32>} : memref<64xi32, #tpu.memory_space<vmem>>, vector<16xi32>,
        %swap3A_114 = arith.constant 0 : index
        %swap3A_115 = tpu.vector_load %arg9[%swap3A_114] {strides = array<i32>} : memref<64xi32, #tpu.memory_space<vmem>>, vector<16xi32>,
        tpu.vector_store %arg9[%swap3A_114], %add3A_108 {strides = array<i32>} : memref<64xi32, #tpu.memory_space<vmem>>, vector<16xi32>,
        %sub3A_116 = arith.constant 1.000000e+00 : f32
        %sub3A_117 = vector.broadcast %sub3A_116 : f32 to vector<16xf32>
        %sub3A_118 = arith.subf %sub3A_117, %sub3A_72 : vector<16xf32>
        %sub3A_119 = arith.constant 1.000000e+00 : f32
        %sub3A_120 = vector.broadcast %sub3A_119 : f32 to vector<16xf32>
        %sub3A_121 = arith.subf %sub3A_120, %sub3A_74 : vector<16xf32>
        %mul3A_122 = arith.mulf %sub3A_118, %sub3A_121 : vector<16xf32>
        %mul3A_123 = arith.mulf %sub3A_118, %sub3A_74 : vector<16xf32>
        %mul3A_124 = arith.mulf %sub3A_72, %sub3A_121 : vector<16xf32>
        %mul3A_125 = arith.mulf %sub3A_72, %sub3A_74 : vector<16xf32>
        %add3A_126 = arith.constant 16 : i32
        %add3A_127 = vector.broadcast %add3A_126 : i32 to vector<16xi32>
        %add3A_128 = arith.addi %iota3A, %add3A_127 : vector<16xi32>
        %mul3A_129 = arith.constant 37 : i32
        %mul3A_130 = vector.broadcast %mul3A_129 : i32 to vector<16xi32>
        %mul3A_131 = arith.muli %add3A_128, %mul3A_130 : vector<16xi32>
        %shift_right_arithmetic3A_132 = arith.constant 8 : i32
        %shift_right_arithmetic3A_133 = vector.broadcast %shift_right_arithmetic3A_132 : i32 to vector<16xi32>
        %shift_right_arithmetic3A_134 = arith.shrsi %mul3A_131, %shift_right_arithmetic3A_133 : vector<16xi32>
        %mul3A_135 = arith.constant 7 : i32
        %mul3A_136 = vector.broadcast %mul3A_135 : i32 to vector<16xi32>
        %mul3A_137 = arith.muli %shift_right_arithmetic3A_134, %mul3A_136 : vector<16xi32>
        %sub3A_138 = arith.subi %add3A_128, %mul3A_137 : vector<16xi32>
        %convert_element_type3A_139 = arith.sitofp %shift_right_arithmetic3A_134 : vector<16xi32> to vector<16xf32>
        %add3A_140 = arith.constant 5.000000e-01 : f32
        %add3A_141 = vector.broadcast %add3A_140 : f32 to vector<16xf32>
        %add3A_142 = arith.addf %convert_element_type3A_139, %add3A_141 : vector<16xf32>
        %div3A_143 = arith.constant 7.000000e+00 : f32
        %div3A_144 = vector.broadcast %div3A_143 : f32 to vector<16xf32>
        %div3A_145 = arith.divf %add3A_142, %div3A_144 : vector<16xf32>
        %convert_element_type3A_146 = arith.sitofp %sub3A_138 : vector<16xi32> to vector<16xf32>
        %add3A_147 = arith.constant 5.000000e-01 : f32
        %add3A_148 = vector.broadcast %add3A_147 : f32 to vector<16xf32>
        %add3A_149 = arith.addf %convert_element_type3A_146, %add3A_148 : vector<16xf32>
        %div3A_150 = arith.constant 7.000000e+00 : f32
        %div3A_151 = vector.broadcast %div3A_150 : f32 to vector<16xf32>
        %div3A_152 = arith.divf %add3A_149, %div3A_151 : vector<16xf32>
        %sub3A_153 = arith.subf %max3A, %min3A : vector<16xf32>
        %mul3A_154 = arith.mulf %sub3A_153, %div3A_145 : vector<16xf32>
        %add3A_155 = arith.addf %min3A, %mul3A_154 : vector<16xf32>
        %mul3A_156 = arith.constant 1.270000e+02 : f32
        %mul3A_157 = vector.broadcast %mul3A_156 : f32 to vector<16xf32>
        %mul3A_158 = arith.mulf %add3A_155, %mul3A_157 : vector<16xf32>
        %sub3A_159 = arith.subf %max3A_32, %min3A_31 : vector<16xf32>
        %mul3A_160 = arith.mulf %sub3A_159, %div3A_152 : vector<16xf32>
        %add3A_161 = arith.addf %min3A_31, %mul3A_160 : vector<16xf32>
        %mul3A_162 = arith.constant 1.270000e+02 : f32
        %mul3A_163 = vector.broadcast %mul3A_162 : f32 to vector<16xf32>
        %mul3A_164 = arith.mulf %add3A_161, %mul3A_163 : vector<16xf32>
        %convert_element_type3A_165 = arith.fptosi %mul3A_158 : vector<16xf32> to vector<16xi32>
        %convert_element_type3A_166 = arith.fptosi %mul3A_164 : vector<16xf32> to vector<16xi32>
        %convert_element_type3A_167 = arith.sitofp %convert_element_type3A_165 : vector<16xi32> to vector<16xf32>
        %sub3A_168 = arith.subf %mul3A_158, %convert_element_type3A_167 : vector<16xf32>
        %convert_element_type3A_169 = arith.sitofp %convert_element_type3A_166 : vector<16xi32> to vector<16xf32>
        %sub3A_170 = arith.subf %mul3A_164, %convert_element_type3A_169 : vector<16xf32>
        %min3A_171 = arith.constant 127 : i32
        %min3A_172 = vector.broadcast %min3A_171 : i32 to vector<16xi32>
        %min3A_173 = arith.minsi %convert_element_type3A_165, %min3A_172 : vector<16xi32>
        %min3A_174 = arith.constant 127 : i32
        %min3A_175 = vector.broadcast %min3A_174 : i32 to vector<16xi32>
        %min3A_176 = arith.minsi %convert_element_type3A_166, %min3A_175 : vector<16xi32>
        %add3A_177 = arith.constant 1 : i32
        %add3A_178 = vector.broadcast %add3A_177 : i32 to vector<16xi32>
        %add3A_179 = arith.addi %min3A_173, %add3A_178 : vector<16xi32>
        %min3A_180 = arith.constant 127 : i32
        %min3A_181 = vector.broadcast %min3A_180 : i32 to vector<16xi32>
        %min3A_182 = arith.minsi %add3A_179, %min3A_181 : vector<16xi32>
        %add3A_183 = arith.constant 1 : i32
        %add3A_184 = vector.broadcast %add3A_183 : i32 to vector<16xi32>
        %add3A_185 = arith.addi %min3A_176, %add3A_184 : vector<16xi32>
        %min3A_186 = arith.constant 127 : i32
        %min3A_187 = vector.broadcast %min3A_186 : i32 to vector<16xi32>
        %min3A_188 = arith.minsi %add3A_185, %min3A_187 : vector<16xi32>
        %mul3A_189 = arith.constant 128 : i32
        %mul3A_190 = vector.broadcast %mul3A_189 : i32 to vector<16xi32>
        %mul3A_191 = arith.muli %min3A_173, %mul3A_190 : vector<16xi32>
        %add3A_192 = arith.addi %mul3A_191, %min3A_176 : vector<16xi32>
        %mul3A_193 = arith.constant 128 : i32
        %mul3A_194 = vector.broadcast %mul3A_193 : i32 to vector<16xi32>
        %mul3A_195 = arith.muli %min3A_173, %mul3A_194 : vector<16xi32>
        %add3A_196 = arith.addi %mul3A_195, %min3A_188 : vector<16xi32>
        %mul3A_197 = arith.constant 128 : i32
        %mul3A_198 = vector.broadcast %mul3A_197 : i32 to vector<16xi32>
        %mul3A_199 = arith.muli %min3A_182, %mul3A_198 : vector<16xi32>
        %add3A_200 = arith.addi %mul3A_199, %min3A_176 : vector<16xi32>
        %mul3A_201 = arith.constant 128 : i32
        %mul3A_202 = vector.broadcast %mul3A_201 : i32 to vector<16xi32>
        %mul3A_203 = arith.muli %min3A_182, %mul3A_202 : vector<16xi32>
        %add3A_204 = arith.addi %mul3A_203, %min3A_188 : vector<16xi32>
        %swap3A_205 = arith.constant 16 : index
        %swap3A_206 = tpu.vector_load %arg6[%swap3A_205] {strides = array<i32>} : memref<64xi32, #tpu.memory_space<vmem>>, vector<16xi32>,
        tpu.vector_store %arg6[%swap3A_205], %add3A_192 {strides = array<i32>} : memref<64xi32, #tpu.memory_space<vmem>>, vector<16xi32>,
        %swap3A_207 = arith.constant 16 : index
        %swap3A_208 = tpu.vector_load %arg7[%swap3A_207] {strides = array<i32>} : memref<64xi32, #tpu.memory_space<vmem>>, vector<16xi32>,
        tpu.vector_store %arg7[%swap3A_207], %add3A_196 {strides = array<i32>} : memref<64xi32, #tpu.memory_space<vmem>>, vector<16xi32>,
        %swap3A_209 = arith.constant 16 : index
        %swap3A_210 = tpu.vector_load %arg8[%swap3A_209] {strides = array<i32>} : memref<64xi32, #tpu.memory_space<vmem>>, vector<16xi32>,
        tpu.vector_store %arg8[%swap3A_209], %add3A_200 {strides = array<i32>} : memref<64xi32, #tpu.memory_space<vmem>>, vector<16xi32>,
        %swap3A_211 = arith.constant 16 : index
        %swap3A_212 = tpu.vector_load %arg9[%swap3A_211] {strides = array<i32>} : memref<64xi32, #tpu.memory_space<vmem>>, vector<16xi32>,
        tpu.vector_store %arg9[%swap3A_211], %add3A_204 {strides = array<i32>} : memref<64xi32, #tpu.memory_space<vmem>>, vector<16xi32>,
        %sub3A_213 = arith.constant 1.000000e+00 : f32
        %sub3A_214 = vector.broadcast %sub3A_213 : f32 to vector<16xf32>
        %sub3A_215 = arith.subf %sub3A_214, %sub3A_168 : vector<16xf32>
        %sub3A_216 = arith.constant 1.000000e+00 : f32
        %sub3A_217 = vector.broadcast %sub3A_216 : f32 to vector<16xf32>
        %sub3A_218 = arith.subf %sub3A_217, %sub3A_170 : vector<16xf32>
        %mul3A_219 = arith.mulf %sub3A_215, %sub3A_218 : vector<16xf32>
        %mul3A_220 = arith.mulf %sub3A_215, %sub3A_170 : vector<16xf32>
        %mul3A_221 = arith.mulf %sub3A_168, %sub3A_218 : vector<16xf32>
        %mul3A_222 = arith.mulf %sub3A_168, %sub3A_170 : vector<16xf32>
        %add3A_223 = arith.constant 32 : i32
        %add3A_224 = vector.broadcast %add3A_223 : i32 to vector<16xi32>
        %add3A_225 = arith.addi %iota3A, %add3A_224 : vector<16xi32>
        %mul3A_226 = arith.constant 37 : i32
        %mul3A_227 = vector.broadcast %mul3A_226 : i32 to vector<16xi32>
        %mul3A_228 = arith.muli %add3A_225, %mul3A_227 : vector<16xi32>
        %shift_right_arithmetic3A_229 = arith.constant 8 : i32
        %shift_right_arithmetic3A_230 = vector.broadcast %shift_right_arithmetic3A_229 : i32 to vector<16xi32>
        %shift_right_arithmetic3A_231 = arith.shrsi %mul3A_228, %shift_right_arithmetic3A_230 : vector<16xi32>
        %mul3A_232 = arith.constant 7 : i32
        %mul3A_233 = vector.broadcast %mul3A_232 : i32 to vector<16xi32>
        %mul3A_234 = arith.muli %shift_right_arithmetic3A_231, %mul3A_233 : vector<16xi32>
        %sub3A_235 = arith.subi %add3A_225, %mul3A_234 : vector<16xi32>
        %convert_element_type3A_236 = arith.sitofp %shift_right_arithmetic3A_231 : vector<16xi32> to vector<16xf32>
        %add3A_237 = arith.constant 5.000000e-01 : f32
        %add3A_238 = vector.broadcast %add3A_237 : f32 to vector<16xf32>
        %add3A_239 = arith.addf %convert_element_type3A_236, %add3A_238 : vector<16xf32>
        %div3A_240 = arith.constant 7.000000e+00 : f32
        %div3A_241 = vector.broadcast %div3A_240 : f32 to vector<16xf32>
        %div3A_242 = arith.divf %add3A_239, %div3A_241 : vector<16xf32>
        %convert_element_type3A_243 = arith.sitofp %sub3A_235 : vector<16xi32> to vector<16xf32>
        %add3A_244 = arith.constant 5.000000e-01 : f32
        %add3A_245 = vector.broadcast %add3A_244 : f32 to vector<16xf32>
        %add3A_246 = arith.addf %convert_element_type3A_243, %add3A_245 : vector<16xf32>
        %div3A_247 = arith.constant 7.000000e+00 : f32
        %div3A_248 = vector.broadcast %div3A_247 : f32 to vector<16xf32>
        %div3A_249 = arith.divf %add3A_246, %div3A_248 : vector<16xf32>
        %sub3A_250 = arith.subf %max3A, %min3A : vector<16xf32>
        %mul3A_251 = arith.mulf %sub3A_250, %div3A_242 : vector<16xf32>
        %add3A_252 = arith.addf %min3A, %mul3A_251 : vector<16xf32>
        %mul3A_253 = arith.constant 1.270000e+02 : f32
        %mul3A_254 = vector.broadcast %mul3A_253 : f32 to vector<16xf32>
        %mul3A_255 = arith.mulf %add3A_252, %mul3A_254 : vector<16xf32>
        %sub3A_256 = arith.subf %max3A_32, %min3A_31 : vector<16xf32>
        %mul3A_257 = arith.mulf %sub3A_256, %div3A_249 : vector<16xf32>
        %add3A_258 = arith.addf %min3A_31, %mul3A_257 : vector<16xf32>
        %mul3A_259 = arith.constant 1.270000e+02 : f32
        %mul3A_260 = vector.broadcast %mul3A_259 : f32 to vector<16xf32>
        %mul3A_261 = arith.mulf %add3A_258, %mul3A_260 : vector<16xf32>
        %convert_element_type3A_262 = arith.fptosi %mul3A_255 : vector<16xf32> to vector<16xi32>
        %convert_element_type3A_263 = arith.fptosi %mul3A_261 : vector<16xf32> to vector<16xi32>
        %convert_element_type3A_264 = arith.sitofp %convert_element_type3A_262 : vector<16xi32> to vector<16xf32>
        %sub3A_265 = arith.subf %mul3A_255, %convert_element_type3A_264 : vector<16xf32>
        %convert_element_type3A_266 = arith.sitofp %convert_element_type3A_263 : vector<16xi32> to vector<16xf32>
        %sub3A_267 = arith.subf %mul3A_261, %convert_element_type3A_266 : vector<16xf32>
        %min3A_268 = arith.constant 127 : i32
        %min3A_269 = vector.broadcast %min3A_268 : i32 to vector<16xi32>
        %min3A_270 = arith.minsi %convert_element_type3A_262, %min3A_269 : vector<16xi32>
        %min3A_271 = arith.constant 127 : i32
        %min3A_272 = vector.broadcast %min3A_271 : i32 to vector<16xi32>
        %min3A_273 = arith.minsi %convert_element_type3A_263, %min3A_272 : vector<16xi32>
        %add3A_274 = arith.constant 1 : i32
        %add3A_275 = vector.broadcast %add3A_274 : i32 to vector<16xi32>
        %add3A_276 = arith.addi %min3A_270, %add3A_275 : vector<16xi32>
        %min3A_277 = arith.constant 127 : i32
        %min3A_278 = vector.broadcast %min3A_277 : i32 to vector<16xi32>
        %min3A_279 = arith.minsi %add3A_276, %min3A_278 : vector<16xi32>
        %add3A_280 = arith.constant 1 : i32
        %add3A_281 = vector.broadcast %add3A_280 : i32 to vector<16xi32>
        %add3A_282 = arith.addi %min3A_273, %add3A_281 : vector<16xi32>
        %min3A_283 = arith.constant 127 : i32
        %min3A_284 = vector.broadcast %min3A_283 : i32 to vector<16xi32>
        %min3A_285 = arith.minsi %add3A_282, %min3A_284 : vector<16xi32>
        %mul3A_286 = arith.constant 128 : i32
        %mul3A_287 = vector.broadcast %mul3A_286 : i32 to vector<16xi32>
        %mul3A_288 = arith.muli %min3A_270, %mul3A_287 : vector<16xi32>
        %add3A_289 = arith.addi %mul3A_288, %min3A_273 : vector<16xi32>
        %mul3A_290 = arith.constant 128 : i32
        %mul3A_291 = vector.broadcast %mul3A_290 : i32 to vector<16xi32>
        %mul3A_292 = arith.muli %min3A_270, %mul3A_291 : vector<16xi32>
        %add3A_293 = arith.addi %mul3A_292, %min3A_285 : vector<16xi32>
        %mul3A_294 = arith.constant 128 : i32
        %mul3A_295 = vector.broadcast %mul3A_294 : i32 to vector<16xi32>
        %mul3A_296 = arith.muli %min3A_279, %mul3A_295 : vector<16xi32>
        %add3A_297 = arith.addi %mul3A_296, %min3A_273 : vector<16xi32>
        %mul3A_298 = arith.constant 128 : i32
        %mul3A_299 = vector.broadcast %mul3A_298 : i32 to vector<16xi32>
        %mul3A_300 = arith.muli %min3A_279, %mul3A_299 : vector<16xi32>
        %add3A_301 = arith.addi %mul3A_300, %min3A_285 : vector<16xi32>
        %swap3A_302 = arith.constant 32 : index
        %swap3A_303 = tpu.vector_load %arg6[%swap3A_302] {strides = array<i32>} : memref<64xi32, #tpu.memory_space<vmem>>, vector<16xi32>,
        tpu.vector_store %arg6[%swap3A_302], %add3A_289 {strides = array<i32>} : memref<64xi32, #tpu.memory_space<vmem>>, vector<16xi32>,
        %swap3A_304 = arith.constant 32 : index
        %swap3A_305 = tpu.vector_load %arg7[%swap3A_304] {strides = array<i32>} : memref<64xi32, #tpu.memory_space<vmem>>, vector<16xi32>,
        tpu.vector_store %arg7[%swap3A_304], %add3A_293 {strides = array<i32>} : memref<64xi32, #tpu.memory_space<vmem>>, vector<16xi32>,
        %swap3A_306 = arith.constant 32 : index
        %swap3A_307 = tpu.vector_load %arg8[%swap3A_306] {strides = array<i32>} : memref<64xi32, #tpu.memory_space<vmem>>, vector<16xi32>,
        tpu.vector_store %arg8[%swap3A_306], %add3A_297 {strides = array<i32>} : memref<64xi32, #tpu.memory_space<vmem>>, vector<16xi32>,
        %swap3A_308 = arith.constant 32 : index
        %swap3A_309 = tpu.vector_load %arg9[%swap3A_308] {strides = array<i32>} : memref<64xi32, #tpu.memory_space<vmem>>, vector<16xi32>,
        tpu.vector_store %arg9[%swap3A_308], %add3A_301 {strides = array<i32>} : memref<64xi32, #tpu.memory_space<vmem>>, vector<16xi32>,
        %sub3A_310 = arith.constant 1.000000e+00 : f32
        %sub3A_311 = vector.broadcast %sub3A_310 : f32 to vector<16xf32>
        %sub3A_312 = arith.subf %sub3A_311, %sub3A_265 : vector<16xf32>
        %sub3A_313 = arith.constant 1.000000e+00 : f32
        %sub3A_314 = vector.broadcast %sub3A_313 : f32 to vector<16xf32>
        %sub3A_315 = arith.subf %sub3A_314, %sub3A_267 : vector<16xf32>
        %mul3A_316 = arith.mulf %sub3A_312, %sub3A_315 : vector<16xf32>
        %mul3A_317 = arith.mulf %sub3A_312, %sub3A_267 : vector<16xf32>
        %mul3A_318 = arith.mulf %sub3A_265, %sub3A_315 : vector<16xf32>
        %mul3A_319 = arith.mulf %sub3A_265, %sub3A_267 : vector<16xf32>
        %add3A_320 = arith.constant 48 : i32
        %add3A_321 = vector.broadcast %add3A_320 : i32 to vector<16xi32>
        %add3A_322 = arith.addi %iota3A, %add3A_321 : vector<16xi32>
        %mul3A_323 = arith.constant 37 : i32
        %mul3A_324 = vector.broadcast %mul3A_323 : i32 to vector<16xi32>
        %mul3A_325 = arith.muli %add3A_322, %mul3A_324 : vector<16xi32>
        %shift_right_arithmetic3A_326 = arith.constant 8 : i32
        %shift_right_arithmetic3A_327 = vector.broadcast %shift_right_arithmetic3A_326 : i32 to vector<16xi32>
        %shift_right_arithmetic3A_328 = arith.shrsi %mul3A_325, %shift_right_arithmetic3A_327 : vector<16xi32>
        %mul3A_329 = arith.constant 7 : i32
        %mul3A_330 = vector.broadcast %mul3A_329 : i32 to vector<16xi32>
        %mul3A_331 = arith.muli %shift_right_arithmetic3A_328, %mul3A_330 : vector<16xi32>
        %sub3A_332 = arith.subi %add3A_322, %mul3A_331 : vector<16xi32>
        %convert_element_type3A_333 = arith.sitofp %shift_right_arithmetic3A_328 : vector<16xi32> to vector<16xf32>
        %add3A_334 = arith.constant 5.000000e-01 : f32
        %add3A_335 = vector.broadcast %add3A_334 : f32 to vector<16xf32>
        %add3A_336 = arith.addf %convert_element_type3A_333, %add3A_335 : vector<16xf32>
        %div3A_337 = arith.constant 7.000000e+00 : f32
        %div3A_338 = vector.broadcast %div3A_337 : f32 to vector<16xf32>
        %div3A_339 = arith.divf %add3A_336, %div3A_338 : vector<16xf32>
        %convert_element_type3A_340 = arith.sitofp %sub3A_332 : vector<16xi32> to vector<16xf32>
        %add3A_341 = arith.constant 5.000000e-01 : f32
        %add3A_342 = vector.broadcast %add3A_341 : f32 to vector<16xf32>
        %add3A_343 = arith.addf %convert_element_type3A_340, %add3A_342 : vector<16xf32>
        %div3A_344 = arith.constant 7.000000e+00 : f32
        %div3A_345 = vector.broadcast %div3A_344 : f32 to vector<16xf32>
        %div3A_346 = arith.divf %add3A_343, %div3A_345 : vector<16xf32>
        %sub3A_347 = arith.subf %max3A, %min3A : vector<16xf32>
        %mul3A_348 = arith.mulf %sub3A_347, %div3A_339 : vector<16xf32>
        %add3A_349 = arith.addf %min3A, %mul3A_348 : vector<16xf32>
        %mul3A_350 = arith.constant 1.270000e+02 : f32
        %mul3A_351 = vector.broadcast %mul3A_350 : f32 to vector<16xf32>
        %mul3A_352 = arith.mulf %add3A_349, %mul3A_351 : vector<16xf32>
        %sub3A_353 = arith.subf %max3A_32, %min3A_31 : vector<16xf32>
        %mul3A_354 = arith.mulf %sub3A_353, %div3A_346 : vector<16xf32>
        %add3A_355 = arith.addf %min3A_31, %mul3A_354 : vector<16xf32>
        %mul3A_356 = arith.constant 1.270000e+02 : f32
        %mul3A_357 = vector.broadcast %mul3A_356 : f32 to vector<16xf32>
        %mul3A_358 = arith.mulf %add3A_355, %mul3A_357 : vector<16xf32>
        %convert_element_type3A_359 = arith.fptosi %mul3A_352 : vector<16xf32> to vector<16xi32>
        %convert_element_type3A_360 = arith.fptosi %mul3A_358 : vector<16xf32> to vector<16xi32>
        %convert_element_type3A_361 = arith.sitofp %convert_element_type3A_359 : vector<16xi32> to vector<16xf32>
        %sub3A_362 = arith.subf %mul3A_352, %convert_element_type3A_361 : vector<16xf32>
        %convert_element_type3A_363 = arith.sitofp %convert_element_type3A_360 : vector<16xi32> to vector<16xf32>
        %sub3A_364 = arith.subf %mul3A_358, %convert_element_type3A_363 : vector<16xf32>
        %min3A_365 = arith.constant 127 : i32
        %min3A_366 = vector.broadcast %min3A_365 : i32 to vector<16xi32>
        %min3A_367 = arith.minsi %convert_element_type3A_359, %min3A_366 : vector<16xi32>
        %min3A_368 = arith.constant 127 : i32
        %min3A_369 = vector.broadcast %min3A_368 : i32 to vector<16xi32>
        %min3A_370 = arith.minsi %convert_element_type3A_360, %min3A_369 : vector<16xi32>
        %add3A_371 = arith.constant 1 : i32
        %add3A_372 = vector.broadcast %add3A_371 : i32 to vector<16xi32>
        %add3A_373 = arith.addi %min3A_367, %add3A_372 : vector<16xi32>
        %min3A_374 = arith.constant 127 : i32
        %min3A_375 = vector.broadcast %min3A_374 : i32 to vector<16xi32>
        %min3A_376 = arith.minsi %add3A_373, %min3A_375 : vector<16xi32>
        %add3A_377 = arith.constant 1 : i32
        %add3A_378 = vector.broadcast %add3A_377 : i32 to vector<16xi32>
        %add3A_379 = arith.addi %min3A_370, %add3A_378 : vector<16xi32>
        %min3A_380 = arith.constant 127 : i32
        %min3A_381 = vector.broadcast %min3A_380 : i32 to vector<16xi32>
        %min3A_382 = arith.minsi %add3A_379, %min3A_381 : vector<16xi32>
        %mul3A_383 = arith.constant 128 : i32
        %mul3A_384 = vector.broadcast %mul3A_383 : i32 to vector<16xi32>
        %mul3A_385 = arith.muli %min3A_367, %mul3A_384 : vector<16xi32>
        %add3A_386 = arith.addi %mul3A_385, %min3A_370 : vector<16xi32>
        %mul3A_387 = arith.constant 128 : i32
        %mul3A_388 = vector.broadcast %mul3A_387 : i32 to vector<16xi32>
        %mul3A_389 = arith.muli %min3A_367, %mul3A_388 : vector<16xi32>
        %add3A_390 = arith.addi %mul3A_389, %min3A_382 : vector<16xi32>
        %mul3A_391 = arith.constant 128 : i32
        %mul3A_392 = vector.broadcast %mul3A_391 : i32 to vector<16xi32>
        %mul3A_393 = arith.muli %min3A_376, %mul3A_392 : vector<16xi32>
        %add3A_394 = arith.addi %mul3A_393, %min3A_370 : vector<16xi32>
        %mul3A_395 = arith.constant 128 : i32
        %mul3A_396 = vector.broadcast %mul3A_395 : i32 to vector<16xi32>
        %mul3A_397 = arith.muli %min3A_376, %mul3A_396 : vector<16xi32>
        %add3A_398 = arith.addi %mul3A_397, %min3A_382 : vector<16xi32>
        %swap3A_399 = arith.constant 48 : index
        %swap3A_400 = tpu.vector_load %arg6[%swap3A_399] {strides = array<i32>} : memref<64xi32, #tpu.memory_space<vmem>>, vector<16xi32>,
        tpu.vector_store %arg6[%swap3A_399], %add3A_386 {strides = array<i32>} : memref<64xi32, #tpu.memory_space<vmem>>, vector<16xi32>,
        %swap3A_401 = arith.constant 48 : index
        %swap3A_402 = tpu.vector_load %arg7[%swap3A_401] {strides = array<i32>} : memref<64xi32, #tpu.memory_space<vmem>>, vector<16xi32>,
        tpu.vector_store %arg7[%swap3A_401], %add3A_390 {strides = array<i32>} : memref<64xi32, #tpu.memory_space<vmem>>, vector<16xi32>,
        %swap3A_403 = arith.constant 48 : index
        %swap3A_404 = tpu.vector_load %arg8[%swap3A_403] {strides = array<i32>} : memref<64xi32, #tpu.memory_space<vmem>>, vector<16xi32>,
        tpu.vector_store %arg8[%swap3A_403], %add3A_394 {strides = array<i32>} : memref<64xi32, #tpu.memory_space<vmem>>, vector<16xi32>,
        %swap3A_405 = arith.constant 48 : index
        %swap3A_406 = tpu.vector_load %arg9[%swap3A_405] {strides = array<i32>} : memref<64xi32, #tpu.memory_space<vmem>>, vector<16xi32>,
        tpu.vector_store %arg9[%swap3A_405], %add3A_398 {strides = array<i32>} : memref<64xi32, #tpu.memory_space<vmem>>, vector<16xi32>,
        %sub3A_407 = arith.constant 1.000000e+00 : f32
        %sub3A_408 = vector.broadcast %sub3A_407 : f32 to vector<16xf32>
        %sub3A_409 = arith.subf %sub3A_408, %sub3A_362 : vector<16xf32>
        %sub3A_410 = arith.constant 1.000000e+00 : f32
        %sub3A_411 = vector.broadcast %sub3A_410 : f32 to vector<16xf32>
        %sub3A_412 = arith.subf %sub3A_411, %sub3A_364 : vector<16xf32>
        %mul3A_413 = arith.mulf %sub3A_409, %sub3A_412 : vector<16xf32>
        %mul3A_414 = arith.mulf %sub3A_409, %sub3A_364 : vector<16xf32>
        %mul3A_415 = arith.mulf %sub3A_362, %sub3A_412 : vector<16xf32>
        %mul3A_416 = arith.mulf %sub3A_362, %sub3A_364 : vector<16xf32>
        %dma_start3A = arith.constant 0 : i32
        %dma_start3A_417 = arith.constant 0 : i32
        %dma_start3A_418 = tpu.memref_slice %arg10[%dma_start3A, %dma_start3A_417] : memref<64x256xf32, #tpu.memory_space<vmem>> -> memref<56x256xf32, #tpu.memory_space<vmem>>
        %dma_start3A_419 = arith.constant 0 : i32
        %dma_start3A_420 = tpu.memref_slice %arg6[%dma_start3A_419] : memref<64xi32, #tpu.memory_space<vmem>> -> memref<56xi32, #tpu.memory_space<vmem>>
        %dma_start3A_421 = arith.constant 0 : i32
        %dma_start3A_422 = arith.constant 0 : i32
        %dma_start3A_423 = tpu.memref_slice %arg2[%dma_start3A_421, %dma_start3A_422] : memref<16384x256xf32, #tpu.memory_space<hbm>> -> memref<16384x256xf32, #tpu.memory_space<hbm>>
        tpu.enqueue_indirect_dma source(%dma_start3A_423 : memref<16384x256xf32, #tpu.memory_space<hbm>>) target(%dma_start3A_418 : memref<56x256xf32, #tpu.memory_space<vmem>>) offsets(%dma_start3A_420 : memref<56xi32, #tpu.memory_space<vmem>>) semaphore(%arg15 : memref<!tpu.dma_semaphore, #tpu.memory_space<semaphore_mem>>)
        %dma_start3A_424 = arith.constant 0 : i32
        %dma_start3A_425 = arith.constant 0 : i32
        %dma_start3A_426 = tpu.memref_slice %arg11[%dma_start3A_424, %dma_start3A_425] : memref<64x256xf32, #tpu.memory_space<vmem>> -> memref<56x256xf32, #tpu.memory_space<vmem>>
        %dma_start3A_427 = arith.constant 0 : i32
        %dma_start3A_428 = tpu.memref_slice %arg7[%dma_start3A_427] : memref<64xi32, #tpu.memory_space<vmem>> -> memref<56xi32, #tpu.memory_space<vmem>>
        %dma_start3A_429 = arith.constant 0 : i32
        %dma_start3A_430 = arith.constant 0 : i32
        %dma_start3A_431 = tpu.memref_slice %arg2[%dma_start3A_429, %dma_start3A_430] : memref<16384x256xf32, #tpu.memory_space<hbm>> -> memref<16384x256xf32, #tpu.memory_space<hbm>>
        tpu.enqueue_indirect_dma source(%dma_start3A_431 : memref<16384x256xf32, #tpu.memory_space<hbm>>) target(%dma_start3A_426 : memref<56x256xf32, #tpu.memory_space<vmem>>) offsets(%dma_start3A_428 : memref<56xi32, #tpu.memory_space<vmem>>) semaphore(%arg15 : memref<!tpu.dma_semaphore, #tpu.memory_space<semaphore_mem>>)
        %dma_start3A_432 = arith.constant 0 : i32
        %dma_start3A_433 = arith.constant 0 : i32
        %dma_start3A_434 = tpu.memref_slice %arg12[%dma_start3A_432, %dma_start3A_433] : memref<64x256xf32, #tpu.memory_space<vmem>> -> memref<56x256xf32, #tpu.memory_space<vmem>>
        %dma_start3A_435 = arith.constant 0 : i32
        %dma_start3A_436 = tpu.memref_slice %arg8[%dma_start3A_435] : memref<64xi32, #tpu.memory_space<vmem>> -> memref<56xi32, #tpu.memory_space<vmem>>
        %dma_start3A_437 = arith.constant 0 : i32
        %dma_start3A_438 = arith.constant 0 : i32
        %dma_start3A_439 = tpu.memref_slice %arg2[%dma_start3A_437, %dma_start3A_438] : memref<16384x256xf32, #tpu.memory_space<hbm>> -> memref<16384x256xf32, #tpu.memory_space<hbm>>
        tpu.enqueue_indirect_dma source(%dma_start3A_439 : memref<16384x256xf32, #tpu.memory_space<hbm>>) target(%dma_start3A_434 : memref<56x256xf32, #tpu.memory_space<vmem>>) offsets(%dma_start3A_436 : memref<56xi32, #tpu.memory_space<vmem>>) semaphore(%arg15 : memref<!tpu.dma_semaphore, #tpu.memory_space<semaphore_mem>>)
        %dma_start3A_440 = arith.constant 0 : i32
        %dma_start3A_441 = arith.constant 0 : i32
        %dma_start3A_442 = tpu.memref_slice %arg13[%dma_start3A_440, %dma_start3A_441] : memref<64x256xf32, #tpu.memory_space<vmem>> -> memref<56x256xf32, #tpu.memory_space<vmem>>
        %dma_start3A_443 = arith.constant 0 : i32
        %dma_start3A_444 = tpu.memref_slice %arg9[%dma_start3A_443] : memref<64xi32, #tpu.memory_space<vmem>> -> memref<56xi32, #tpu.memory_space<vmem>>
        %dma_start3A_445 = arith.constant 0 : i32
        %dma_start3A_446 = arith.constant 0 : i32
        %dma_start3A_447 = tpu.memref_slice %arg2[%dma_start3A_445, %dma_start3A_446] : memref<16384x256xf32, #tpu.memory_space<hbm>> -> memref<16384x256xf32, #tpu.memory_space<hbm>>
        tpu.enqueue_indirect_dma source(%dma_start3A_447 : memref<16384x256xf32, #tpu.memory_space<hbm>>) target(%dma_start3A_442 : memref<56x256xf32, #tpu.memory_space<vmem>>) offsets(%dma_start3A_444 : memref<56xi32, #tpu.memory_space<vmem>>) semaphore(%arg15 : memref<!tpu.dma_semaphore, #tpu.memory_space<semaphore_mem>>)
        %dma_wait3A = arith.constant 0 : i32
        %dma_wait3A_448 = arith.constant 0 : i32
        %dma_wait3A_449 = tpu.memref_slice %arg10[%dma_wait3A, %dma_wait3A_448] : memref<64x256xf32, #tpu.memory_space<vmem>> -> memref<56x256xf32, #tpu.memory_space<vmem>>
        %dma_wait3A_450 = arith.constant 0 : i32
        %dma_wait3A_451 = tpu.memref_slice %arg6[%dma_wait3A_450] : memref<64xi32, #tpu.memory_space<vmem>> -> memref<56xi32, #tpu.memory_space<vmem>>
        %dma_wait3A_452 = arith.constant 0 : i32
        %dma_wait3A_453 = arith.constant 0 : i32
        %dma_wait3A_454 = tpu.memref_slice %arg2[%dma_wait3A_452, %dma_wait3A_453] : memref<16384x256xf32, #tpu.memory_space<hbm>> -> memref<16384x256xf32, #tpu.memory_space<hbm>>
        tpu.wait_indirect_dma semaphore(%arg15 : memref<!tpu.dma_semaphore, #tpu.memory_space<semaphore_mem>>) src(%dma_wait3A_454 : memref<16384x256xf32, #tpu.memory_space<hbm>>) dst(%dma_wait3A_449 : memref<56x256xf32, #tpu.memory_space<vmem>>)
        %dma_wait3A_455 = arith.constant 0 : i32
        %dma_wait3A_456 = arith.constant 0 : i32
        %dma_wait3A_457 = tpu.memref_slice %arg11[%dma_wait3A_455, %dma_wait3A_456] : memref<64x256xf32, #tpu.memory_space<vmem>> -> memref<56x256xf32, #tpu.memory_space<vmem>>
        %dma_wait3A_458 = arith.constant 0 : i32
        %dma_wait3A_459 = tpu.memref_slice %arg7[%dma_wait3A_458] : memref<64xi32, #tpu.memory_space<vmem>> -> memref<56xi32, #tpu.memory_space<vmem>>
        %dma_wait3A_460 = arith.constant 0 : i32
        %dma_wait3A_461 = arith.constant 0 : i32
        %dma_wait3A_462 = tpu.memref_slice %arg2[%dma_wait3A_460, %dma_wait3A_461] : memref<16384x256xf32, #tpu.memory_space<hbm>> -> memref<16384x256xf32, #tpu.memory_space<hbm>>
        tpu.wait_indirect_dma semaphore(%arg15 : memref<!tpu.dma_semaphore, #tpu.memory_space<semaphore_mem>>) src(%dma_wait3A_462 : memref<16384x256xf32, #tpu.memory_space<hbm>>) dst(%dma_wait3A_457 : memref<56x256xf32, #tpu.memory_space<vmem>>)
        %dma_wait3A_463 = arith.constant 0 : i32
        %dma_wait3A_464 = arith.constant 0 : i32
        %dma_wait3A_465 = tpu.memref_slice %arg12[%dma_wait3A_463, %dma_wait3A_464] : memref<64x256xf32, #tpu.memory_space<vmem>> -> memref<56x256xf32, #tpu.memory_space<vmem>>
        %dma_wait3A_466 = arith.constant 0 : i32
        %dma_wait3A_467 = tpu.memref_slice %arg8[%dma_wait3A_466] : memref<64xi32, #tpu.memory_space<vmem>> -> memref<56xi32, #tpu.memory_space<vmem>>
        %dma_wait3A_468 = arith.constant 0 : i32
        %dma_wait3A_469 = arith.constant 0 : i32
        %dma_wait3A_470 = tpu.memref_slice %arg2[%dma_wait3A_468, %dma_wait3A_469] : memref<16384x256xf32, #tpu.memory_space<hbm>> -> memref<16384x256xf32, #tpu.memory_space<hbm>>
        tpu.wait_indirect_dma semaphore(%arg15 : memref<!tpu.dma_semaphore, #tpu.memory_space<semaphore_mem>>) src(%dma_wait3A_470 : memref<16384x256xf32, #tpu.memory_space<hbm>>) dst(%dma_wait3A_465 : memref<56x256xf32, #tpu.memory_space<vmem>>)
        %dma_wait3A_471 = arith.constant 0 : i32
        %dma_wait3A_472 = arith.constant 0 : i32
        %dma_wait3A_473 = tpu.memref_slice %arg13[%dma_wait3A_471, %dma_wait3A_472] : memref<64x256xf32, #tpu.memory_space<vmem>> -> memref<56x256xf32, #tpu.memory_space<vmem>>
        %dma_wait3A_474 = arith.constant 0 : i32
        %dma_wait3A_475 = tpu.memref_slice %arg9[%dma_wait3A_474] : memref<64xi32, #tpu.memory_space<vmem>> -> memref<56xi32, #tpu.memory_space<vmem>>
        %dma_wait3A_476 = arith.constant 0 : i32
        %dma_wait3A_477 = arith.constant 0 : i32
        %dma_wait3A_478 = tpu.memref_slice %arg2[%dma_wait3A_476, %dma_wait3A_477] : memref<16384x256xf32, #tpu.memory_space<hbm>> -> memref<16384x256xf32, #tpu.memory_space<hbm>>
        tpu.wait_indirect_dma semaphore(%arg15 : memref<!tpu.dma_semaphore, #tpu.memory_space<semaphore_mem>>) src(%dma_wait3A_478 : memref<16384x256xf32, #tpu.memory_space<hbm>>) dst(%dma_wait3A_473 : memref<56x256xf32, #tpu.memory_space<vmem>>)
        %add3A_479 = arith.constant 0 : i32
        %add3A_480 = vector.broadcast %add3A_479 : i32 to vector<16xi32>
        %add3A_481 = arith.addi %iota3A, %add3A_480 : vector<16xi32>
        %mul3A_482 = arith.constant 256 : i32
        %mul3A_483 = vector.broadcast %mul3A_482 : i32 to vector<16xi32>
        %mul3A_484 = arith.muli %add3A_481, %mul3A_483 : vector<16xi32>
        %scan3A_485 = arith.constant 0 : i32
        %scan3A_486 = arith.constant 0 : i32
        %scan3A_487 = arith.constant 256 : i32
        %scan3A_488 = arith.addi %scan3A_486, %scan3A_487 : i32
        %scan3A_489 = arith.constant 1 : i32
        %scan3A_490 = scf.for %scan3A_534 = %scan3A_486 to %scan3A_488 step %scan3A_489 iter_args(%scan3A_535 = %scan3A_485) -> (i32)  : i32 {
          %broadcast_in_dim3A_536 = vector.broadcast %scan3A_534 : i32 to vector<16xi32>
          %gather3A_537 = tpu.vector_load_idx %arg10[%add3A_481, %broadcast_in_dim3A_536] : memref<64x256xf32, #tpu.memory_space<vmem>>[vector<16xi32>, vector<16xi32>], vector<16xf32>,
          %gather3A_538 = tpu.vector_load_idx %arg11[%add3A_481, %broadcast_in_dim3A_536] : memref<64x256xf32, #tpu.memory_space<vmem>>[vector<16xi32>, vector<16xi32>], vector<16xf32>,
          %gather3A_539 = tpu.vector_load_idx %arg12[%add3A_481, %broadcast_in_dim3A_536] : memref<64x256xf32, #tpu.memory_space<vmem>>[vector<16xi32>, vector<16xi32>], vector<16xf32>,
          %gather3A_540 = tpu.vector_load_idx %arg13[%add3A_481, %broadcast_in_dim3A_536] : memref<64x256xf32, #tpu.memory_space<vmem>>[vector<16xi32>, vector<16xi32>], vector<16xf32>,
          %mul3A_541 = arith.mulf %mul3A_122, %gather3A_537 : vector<16xf32>
          %mul3A_542 = arith.mulf %mul3A_123, %gather3A_538 : vector<16xf32>
          %add3A_543 = arith.addf %mul3A_541, %mul3A_542 : vector<16xf32>
          %mul3A_544 = arith.mulf %mul3A_124, %gather3A_539 : vector<16xf32>
          %add3A_545 = arith.addf %add3A_543, %mul3A_544 : vector<16xf32>
          %mul3A_546 = arith.mulf %mul3A_125, %gather3A_540 : vector<16xf32>
          %add3A_547 = arith.addf %add3A_545, %mul3A_546 : vector<16xf32>
          %add3A_548 = arith.addi %mul3A_484, %broadcast_in_dim3A_536 : vector<16xi32>
          tpu.vector_store_idx %arg14[%add3A_548], %add3A_547 : memref<16384xf32, #tpu.memory_space<vmem>>[vector<16xi32>], vector<16xf32>,
          %scan3A_549 = arith.constant 0 : i32
          scf.yield %scan3A_549 : i32
        }
        %scan3A_491 = arith.constant 256 : i32
        %add3A_492 = arith.constant 16 : i32
        %add3A_493 = vector.broadcast %add3A_492 : i32 to vector<16xi32>
        %add3A_494 = arith.addi %iota3A, %add3A_493 : vector<16xi32>
        %mul3A_495 = arith.constant 256 : i32
        %mul3A_496 = vector.broadcast %mul3A_495 : i32 to vector<16xi32>
        %mul3A_497 = arith.muli %add3A_494, %mul3A_496 : vector<16xi32>
        %scan3A_498 = arith.constant 0 : i32
        %scan3A_499 = arith.constant 0 : i32
        %scan3A_500 = arith.constant 256 : i32
        %scan3A_501 = arith.addi %scan3A_499, %scan3A_500 : i32
        %scan3A_502 = arith.constant 1 : i32
        %scan3A_503 = scf.for %scan3A_534 = %scan3A_499 to %scan3A_501 step %scan3A_502 iter_args(%scan3A_535 = %scan3A_498) -> (i32)  : i32 {
          %broadcast_in_dim3A_536 = vector.broadcast %scan3A_534 : i32 to vector<16xi32>
          %gather3A_537 = tpu.vector_load_idx %arg10[%add3A_494, %broadcast_in_dim3A_536] : memref<64x256xf32, #tpu.memory_space<vmem>>[vector<16xi32>, vector<16xi32>], vector<16xf32>,
          %gather3A_538 = tpu.vector_load_idx %arg11[%add3A_494, %broadcast_in_dim3A_536] : memref<64x256xf32, #tpu.memory_space<vmem>>[vector<16xi32>, vector<16xi32>], vector<16xf32>,
          %gather3A_539 = tpu.vector_load_idx %arg12[%add3A_494, %broadcast_in_dim3A_536] : memref<64x256xf32, #tpu.memory_space<vmem>>[vector<16xi32>, vector<16xi32>], vector<16xf32>,
          %gather3A_540 = tpu.vector_load_idx %arg13[%add3A_494, %broadcast_in_dim3A_536] : memref<64x256xf32, #tpu.memory_space<vmem>>[vector<16xi32>, vector<16xi32>], vector<16xf32>,
          %mul3A_541 = arith.mulf %mul3A_219, %gather3A_537 : vector<16xf32>
          %mul3A_542 = arith.mulf %mul3A_220, %gather3A_538 : vector<16xf32>
          %add3A_543 = arith.addf %mul3A_541, %mul3A_542 : vector<16xf32>
          %mul3A_544 = arith.mulf %mul3A_221, %gather3A_539 : vector<16xf32>
          %add3A_545 = arith.addf %add3A_543, %mul3A_544 : vector<16xf32>
          %mul3A_546 = arith.mulf %mul3A_222, %gather3A_540 : vector<16xf32>
          %add3A_547 = arith.addf %add3A_545, %mul3A_546 : vector<16xf32>
          %add3A_548 = arith.addi %mul3A_497, %broadcast_in_dim3A_536 : vector<16xi32>
          tpu.vector_store_idx %arg14[%add3A_548], %add3A_547 : memref<16384xf32, #tpu.memory_space<vmem>>[vector<16xi32>], vector<16xf32>,
          %scan3A_549 = arith.constant 0 : i32
          scf.yield %scan3A_549 : i32
        }
        %scan3A_504 = arith.constant 256 : i32
        %add3A_505 = arith.constant 32 : i32
        %add3A_506 = vector.broadcast %add3A_505 : i32 to vector<16xi32>
        %add3A_507 = arith.addi %iota3A, %add3A_506 : vector<16xi32>
        %mul3A_508 = arith.constant 256 : i32
        %mul3A_509 = vector.broadcast %mul3A_508 : i32 to vector<16xi32>
        %mul3A_510 = arith.muli %add3A_507, %mul3A_509 : vector<16xi32>
        %scan3A_511 = arith.constant 0 : i32
        %scan3A_512 = arith.constant 0 : i32
        %scan3A_513 = arith.constant 256 : i32
        %scan3A_514 = arith.addi %scan3A_512, %scan3A_513 : i32
        %scan3A_515 = arith.constant 1 : i32
        %scan3A_516 = scf.for %scan3A_534 = %scan3A_512 to %scan3A_514 step %scan3A_515 iter_args(%scan3A_535 = %scan3A_511) -> (i32)  : i32 {
          %broadcast_in_dim3A_536 = vector.broadcast %scan3A_534 : i32 to vector<16xi32>
          %gather3A_537 = tpu.vector_load_idx %arg10[%add3A_507, %broadcast_in_dim3A_536] : memref<64x256xf32, #tpu.memory_space<vmem>>[vector<16xi32>, vector<16xi32>], vector<16xf32>,
          %gather3A_538 = tpu.vector_load_idx %arg11[%add3A_507, %broadcast_in_dim3A_536] : memref<64x256xf32, #tpu.memory_space<vmem>>[vector<16xi32>, vector<16xi32>], vector<16xf32>,
          %gather3A_539 = tpu.vector_load_idx %arg12[%add3A_507, %broadcast_in_dim3A_536] : memref<64x256xf32, #tpu.memory_space<vmem>>[vector<16xi32>, vector<16xi32>], vector<16xf32>,
          %gather3A_540 = tpu.vector_load_idx %arg13[%add3A_507, %broadcast_in_dim3A_536] : memref<64x256xf32, #tpu.memory_space<vmem>>[vector<16xi32>, vector<16xi32>], vector<16xf32>,
          %mul3A_541 = arith.mulf %mul3A_316, %gather3A_537 : vector<16xf32>
          %mul3A_542 = arith.mulf %mul3A_317, %gather3A_538 : vector<16xf32>
          %add3A_543 = arith.addf %mul3A_541, %mul3A_542 : vector<16xf32>
          %mul3A_544 = arith.mulf %mul3A_318, %gather3A_539 : vector<16xf32>
          %add3A_545 = arith.addf %add3A_543, %mul3A_544 : vector<16xf32>
          %mul3A_546 = arith.mulf %mul3A_319, %gather3A_540 : vector<16xf32>
          %add3A_547 = arith.addf %add3A_545, %mul3A_546 : vector<16xf32>
          %add3A_548 = arith.addi %mul3A_510, %broadcast_in_dim3A_536 : vector<16xi32>
          tpu.vector_store_idx %arg14[%add3A_548], %add3A_547 : memref<16384xf32, #tpu.memory_space<vmem>>[vector<16xi32>], vector<16xf32>,
          %scan3A_549 = arith.constant 0 : i32
          scf.yield %scan3A_549 : i32
        }
        %scan3A_517 = arith.constant 256 : i32
        %add3A_518 = arith.constant 48 : i32
        %add3A_519 = vector.broadcast %add3A_518 : i32 to vector<16xi32>
        %add3A_520 = arith.addi %iota3A, %add3A_519 : vector<16xi32>
        %mul3A_521 = arith.constant 256 : i32
        %mul3A_522 = vector.broadcast %mul3A_521 : i32 to vector<16xi32>
        %mul3A_523 = arith.muli %add3A_520, %mul3A_522 : vector<16xi32>
        %scan3A_524 = arith.constant 0 : i32
        %scan3A_525 = arith.constant 0 : i32
        %scan3A_526 = arith.constant 256 : i32
        %scan3A_527 = arith.addi %scan3A_525, %scan3A_526 : i32
        %scan3A_528 = arith.constant 1 : i32
        %scan3A_529 = scf.for %scan3A_534 = %scan3A_525 to %scan3A_527 step %scan3A_528 iter_args(%scan3A_535 = %scan3A_524) -> (i32)  : i32 {
          %broadcast_in_dim3A_536 = vector.broadcast %scan3A_534 : i32 to vector<16xi32>
          %gather3A_537 = tpu.vector_load_idx %arg10[%add3A_520, %broadcast_in_dim3A_536] : memref<64x256xf32, #tpu.memory_space<vmem>>[vector<16xi32>, vector<16xi32>], vector<16xf32>,
          %gather3A_538 = tpu.vector_load_idx %arg11[%add3A_520, %broadcast_in_dim3A_536] : memref<64x256xf32, #tpu.memory_space<vmem>>[vector<16xi32>, vector<16xi32>], vector<16xf32>,
          %gather3A_539 = tpu.vector_load_idx %arg12[%add3A_520, %broadcast_in_dim3A_536] : memref<64x256xf32, #tpu.memory_space<vmem>>[vector<16xi32>, vector<16xi32>], vector<16xf32>,
          %gather3A_540 = tpu.vector_load_idx %arg13[%add3A_520, %broadcast_in_dim3A_536] : memref<64x256xf32, #tpu.memory_space<vmem>>[vector<16xi32>, vector<16xi32>], vector<16xf32>,
          %mul3A_541 = arith.mulf %mul3A_413, %gather3A_537 : vector<16xf32>
          %mul3A_542 = arith.mulf %mul3A_414, %gather3A_538 : vector<16xf32>
          %add3A_543 = arith.addf %mul3A_541, %mul3A_542 : vector<16xf32>
          %mul3A_544 = arith.mulf %mul3A_415, %gather3A_539 : vector<16xf32>
          %add3A_545 = arith.addf %add3A_543, %mul3A_544 : vector<16xf32>
          %mul3A_546 = arith.mulf %mul3A_416, %gather3A_540 : vector<16xf32>
          %add3A_547 = arith.addf %add3A_545, %mul3A_546 : vector<16xf32>
          %add3A_548 = arith.addi %mul3A_523, %broadcast_in_dim3A_536 : vector<16xi32>
          tpu.vector_store_idx %arg14[%add3A_548], %add3A_547 : memref<16384xf32, #tpu.memory_space<vmem>>[vector<16xi32>], vector<16xf32>,
          %scan3A_549 = arith.constant 0 : i32
          scf.yield %scan3A_549 : i32
        }
        %scan3A_530 = arith.constant 256 : i32
        %add3A_531 = arith.addi %mul3A_2, %scan3A_11 : i32
        %mul3A_532 = arith.constant 12544 : i32
        %mul3A_533 = arith.muli %add3A_531, %mul3A_532 : i32
        "tpu.region"() ({
          %run_scoped3A = tpu.sem_alloc : memref<!tpu.dma_semaphore, #tpu.memory_space<semaphore_mem>>
          %dma_start3A_534 = arith.constant 0 : i32
          %dma_start3A_535 = tpu.memref_slice %arg14[%dma_start3A_534] : memref<16384xf32, #tpu.memory_space<vmem>> -> memref<12544xf32, #tpu.memory_space<vmem>>
          %dma_start3A_536 = tpu.memref_slice %arg4[%mul3A_533] : memref<62720000xf32, #tpu.memory_space<hbm>> -> memref<12544xf32, #tpu.memory_space<hbm>>
          %dma_start3A_537 = tpu.memref_slice %arg4[%mul3A_533] : memref<62720000xf32, #tpu.memory_space<hbm>> -> memref<12544xf32, #tpu.memory_space<hbm>>
          %dma_start3A_538 = arith.constant 0 : i32
          %dma_start3A_539 = tpu.memref_slice %arg14[%dma_start3A_538] : memref<16384xf32, #tpu.memory_space<vmem>> -> memref<12544xf32, #tpu.memory_space<vmem>>
          tpu.enqueue_dma source(%dma_start3A_539 : memref<12544xf32, #tpu.memory_space<vmem>>) target(%dma_start3A_537 : memref<12544xf32, #tpu.memory_space<hbm>>) target_semaphore(%run_scoped3A : memref<!tpu.dma_semaphore, #tpu.memory_space<semaphore_mem>>)
          %dma_wait3A_540 = arith.constant 0 : i32
          %dma_wait3A_541 = tpu.memref_slice %arg14[%dma_wait3A_540] : memref<16384xf32, #tpu.memory_space<vmem>> -> memref<12544xf32, #tpu.memory_space<vmem>>
          %dma_wait3A_542 = tpu.memref_slice %arg4[%mul3A_533] : memref<62720000xf32, #tpu.memory_space<hbm>> -> memref<12544xf32, #tpu.memory_space<hbm>>
          %dma_wait3A_543 = tpu.memref_slice %arg4[%mul3A_533] : memref<62720000xf32, #tpu.memory_space<hbm>> -> memref<12544xf32, #tpu.memory_space<hbm>>
          %dma_wait3A_544 = arith.constant 0 : i32
          %dma_wait3A_545 = tpu.memref_slice %arg14[%dma_wait3A_544] : memref<16384xf32, #tpu.memory_space<vmem>> -> memref<12544xf32, #tpu.memory_space<vmem>>
          tpu.wait_dma2 semaphore(%run_scoped3A : memref<!tpu.dma_semaphore, #tpu.memory_space<semaphore_mem>>) src(%dma_wait3A_545 : memref<12544xf32, #tpu.memory_space<vmem>>) dst(%dma_wait3A_543 : memref<12544xf32, #tpu.memory_space<hbm>>)
          tpu.yield
        }) : () -> ()
      } else {
      }
      %scan3A_16 = arith.constant 0 : i32
      scf.yield %scan3A_16 : i32
    }
    %scan3A_10 = arith.constant 160 : i32
    return
  }
}

</mosaic_0001>

<sc_bundles>
// kernel: _roialign_sc.3.cloned.1.call-start
scs
__scs_entry_jumppad:
0x0: {  	(pc) =	sbr.rel $0x88, $3  }
0x1: {  	(tag) =	ssettag $0x0;
	lr =	simm.s32 $0x1  }
0x2: {  	[smem:$0x3F9F] =	sst lr;
	_ =	strace $0xD0000000  }
0x3: {  	_ = 	snop  }
0x4: {  	_ = 	snop  }
0x5: {  	_ = 	snop  }
0x6: {  	_ = 	snop  }
0x7: {  	_ = 	snop  }
__scs_overlays_trampoline_lowered:
0x8: {  	[smem:$0x3FAE] =	sst s0  }
0x9: {  	[smem:$0x3FAF] =	sst s1  }
0xa: {  	[smem:$0x3FB0] =	sst s2  }
0xb: {  	[smem:$0x3FB1] =	sst s3  }
0xc: {  	[smem:$0x3FB2] =	sst s4  }
0xd: {  	[smem:$0x3FB3] =	sst s5  }
0xe: {  	[smem:$0x3FB4] =	sst s6  }
0xf: {  	[smem:$0x3FB5] =	sst s7  }
0x10: {  	[smem:$0x3FB6] =	sst s8  }
0x11: {  	[smem:$0x3FB7] =	sst s9;
	s0 =	simm.s32 @!p0 $0x0  }
0x12: {  	s1 =	sld [smem:$0x3F9D];
	s0 =	simm.s32 @p0 $0x1  }
0x13: {  	[smem:$0x3FB8] =	sst s0;
	s0 =	simm.s32 @!p1 $0x0  }
0x14: {  	s2 =	sld [smem:$0x3F9C];
	s0 =	simm.s32 @p1 $0x1  }
0x15: {  	[smem:$0x3FB9] =	sst s0;
	s0 =	simm.s32 @!p2 $0x0  }
0x16: {  	s3 =	sld [smem:$0x3FDB];
	s0 =	simm.s32 @p2 $0x1  }
0x17: {  	s4 =	simm.s32 $0x1BF5;
	[smem:$0x3FBB] =	sst s0  }
0x18: {  	s0 =	sld [smem:$0x3F9E];
	_ =	swait.ge [sflag:s4], $0x0  }
0x19: {  	s7 =	sld [smem:$0x3F9F]  }
0x1a: {  	s8 =	sadd.s32 $0xFFFFE003, lr  }
0x1b: {  	s9 =	sadd.s32 $0xFFFFFEF7, lr;
	s5 =	simm.s32 $0xFFFFFFFF;
	p2 =	slt.u32 s8, $0xFFFFF086  }
0x1c: {  	p1 =	slt.u32 s9, $0xF7A;
	s5 =	simm.s32 @!p2 $0x0  }
0x1d: {  	s5 =	simm.s32 @p1 $0x1;
	p0 =	seq.s32 s7, s2  }
0x1e: {  	s7 =	smul.u32 @!p0 $0xF7A, s2;
	p2 =	seq.s32 @!p0 s5, $0x0  }
0x1f: {  	s9 =	smul.u32 $0xF7A, s1;
	s8 =	simm.s32 @!p0 $0x1BF5;
	p2 =	por !p2, p0  }
0x20: {  	[sflag:s8] =	ssyncset.s32 @!p0 $0xFFFFF086;
	s6 =	sadd.s32 @!p0 s3, s7;
	s7 =	simm.s32 @!p0 $0x108  }
0x21: {  	s3 =	sadd.s32 s3, s9;
	s6 =	sadd.s32 @!p0 $0x88, s6;
	s7 =	simm.s32 @p2 $0x1082  }
0x22: {  	[simem:s7], [sflag:s8] =	dma.local @!p0 [hbm:s6], $0xF7A  }
0x23: {  	s9 =	sor.u32 $0xD0000000, s2;
	s6 =	simm.s32 $0x108;
	_ =	swait.ge @!p0 [sflag:s8], $0x0  }
0x24: {  	s3 =	sadd.s32 $0x88, s3;
	s6 =	simm.s32 @!p1 $0x1082;
	[sflag:s4] =	ssyncset.s32 $0xFFFFF086  }
0x25: {  	[simem:s6], [sflag:s4] =	dma.local [hbm:s3], $0xF7A  }
0x26: {  	[smem:$0x3F9F] =	sst s1;
	(tag) =	ssettag s2;
	_ =	strace s9  }
0x27: {  	s1 =	sld [smem:$0x3FAF]  }
0x28: {  	s2 =	sld [smem:$0x3FB0]  }
0x29: {  	s4 =	sld [smem:$0x3FB2]  }
0x2a: {  	p0 =	seq.s32 s5, $0x0;
	s5 =	sld [smem:$0x3FB3]  }
0x2b: {  	s6 =	sld [smem:$0x3FB4]  }
0x2c: {  	s7 =	sld [smem:$0x3FB5]  }
0x2d: {  	s3 =	simm.s32 $0x108;
	s8 =	sld [smem:$0x3FB6]  }
0x2e: {  	s3 =	simm.s32 @!p0 $0x1082;
	s9 =	sld [smem:$0x3FB7]  }
0x2f: {  	lr =	sadd.s32 s0, s3;
	s0 =	sld [smem:$0x3FAE]  }
0x30: {  	s3 =	sld [smem:$0x3FB1]  }
0x31: {  	[smem:$0x3FBA] =	sst s10  }
0x32: {  	s10 =	sld [smem:$0x3FB8];
	_ =	sdelay $0x3  }
0x33: {  	p0 =	seq.s32 s10, $0x1;
	s10 =	sld [smem:$0x3FBA];
	_ =	sdelay $0x3  }
0x34: {  	[smem:$0x3FBA] =	sst s10  }
0x35: {  	s10 =	sld [smem:$0x3FB9];
	_ =	sdelay $0x3  }
0x36: {  	p1 =	seq.s32 s10, $0x1;
	s10 =	sld [smem:$0x3FBA];
	_ =	sdelay $0x3  }
0x37: {  	[smem:$0x3FBA] =	sst s10  }
0x38: {  	s10 =	sld [smem:$0x3FBB]  }
0x39: {  	_ = 	snop;
	(pc) =	sbr.ind lr, $3  }
0x3a: {  	_ = 	snop  }
0x3b: {  	_ = 	snop  }
0x3c: {  	p2 =	seq.s32 s10, $0x1;
	s10 =	sld [smem:$0x3FBA]  }
0x3d: {  	_ =	shalt  }
0x3e: {  	_ =	shalt  }
0x3f: {  	_ =	shalt  }
0x40: {  	_ =	shalt  }
0x41: {  	_ =	shalt  }
0x42: {  	_ =	shalt  }
0x43: {  	_ =	shalt  }
0x44: {  	_ =	shalt  }
0x45: {  	_ =	shalt  }
0x46: {  	_ =	shalt  }
0x47: {  	_ =	shalt  }
0x48: {  	_ =	shalt  }
0x49: {  	_ =	shalt  }
0x4a: {  	_ =	shalt  }
0x4b: {  	_ =	shalt  }
0x4c: {  	_ =	shalt  }
0x4d: {  	_ =	shalt  }
0x4e: {  	_ =	shalt  }
0x4f: {  	_ =	shalt  }
0x50: {  	_ =	shalt  }
0x51: {  	_ =	shalt  }
0x52: {  	_ =	shalt  }
0x53: {  	_ =	shalt  }
0x54: {  	_ =	shalt  }
0x55: {  	_ =	shalt  }
0x56: {  	_ =	shalt  }
0x57: {  	_ =	shalt  }
0x58: {  	_ =	shalt  }
0x59: {  	_ =	shalt  }
0x5a: {  	_ =	shalt  }
0x5b: {  	_ =	shalt  }
0x5c: {  	_ =	shalt  }
0x5d: {  	_ =	shalt  }
0x5e: {  	_ =	shalt  }
0x5f: {  	_ =	shalt  }
0x60: {  	_ =	shalt  }
0x61: {  	_ =	shalt  }
0x62: {  	_ =	shalt  }
0x63: {  	_ =	shalt  }
0x64: {  	_ =	shalt  }
0x65: {  	_ =	shalt  }
0x66: {  	_ =	shalt  }
0x67: {  	_ =	shalt  }
0x68: {  	_ =	shalt  }
0x69: {  	_ =	shalt  }
0x6a: {  	_ =	shalt  }
0x6b: {  	_ =	shalt  }
0x6c: {  	_ =	shalt  }
0x6d: {  	_ =	shalt  }
0x6e: {  	_ =	shalt  }
0x6f: {  	_ =	shalt  }
0x70: {  	_ =	shalt  }
0x71: {  	_ =	shalt  }
0x72: {  	_ =	shalt  }
0x73: {  	_ =	shalt  }
0x74: {  	_ =	shalt  }
0x75: {  	_ =	shalt  }
0x76: {  	_ =	shalt  }
0x77: {  	_ =	shalt  }
0x78: {  	_ =	shalt  }
0x79: {  	_ =	shalt  }
0x7a: {  	_ =	shalt  }
0x7b: {  	_ =	shalt  }
0x7c: {  	_ =	shalt  }
0x7d: {  	_ =	shalt  }
0x7e: {  	_ =	shalt  }
0x7f: {  	_ =	shalt  }
0x80: {  	_ =	shalt  }
0x81: {  	_ =	shalt  }
0x82: {  	_ =	shalt  }
0x83: {  	_ =	shalt  }
0x84: {  	_ =	shalt  }
0x85: {  	_ =	shalt  }
0x86: {  	_ =	shalt  }
0x87: {  	_ =	shalt  }
.Lfunc_end0:
.L_simem_size_0:
called_computation_lowered:
.L_overlay_start_0:
0x88: {  	s2 =	sld [smem:$0x3FD9]  }
0x89: {  	s3 =	sld [smem:$0x3FFE];
	_ =	sdelay $0x1  }
0x8a: {  	s1 =	srdreg.scid  }
0x8b: {  	s0 =	sand.u32 $0x1, s1  }
0x8c: {  	s18 =	sshll.u32 s0, $0xA;
	s2 =	sadd.s32 s3, s2  }
0x8d: {  	s2 =	sadd.s32 s2, s18  }
0x8e: {  	[smem:$0x3FC6] =	sst s2  }
0x8f: {  	_ = 	snop  }
0x90: {  	s2 =	sld [smem:$0x3FC9]  }
0x91: {  	s19 =	sld [smem:$0x3FC8]  }
0x92: {  	s4 =	sld [smem:$0x3FD0];
	(tm) =	ssettm $0x1  }
0x93: {  	s5 =	sld [smem:$0x3FFB];
	_ =	sdelay $0x3  }
0x94: {  	_ =	strace s5  }
0x95: {  	s5 =	sld [smem:$0x3FFC];
	_ =	sdelay $0x3  }
0x96: {  	_ =	strace s5  }
0x97: {  	s5 =	sld [smem:$0x3FFD];
	_ =	sdelay $0x3  }
0x98: {  	_ =	strace s5  }
0x99: {  	_ =	strace $0x8FFFFFFF  }
0x9a: {  	s20 =	sld [smem:$0x3FDB];
	_ =	sdelay $0x1  }
0x9b: {  	s6 =	simm.s32 $_scs_section_size  }
0x9c: {  	s7 =	simm.s32 $_size__tile_overlayer_lowered;
	s8 =	simm.s32 $_tile_overlayer_lowered  }
0x9d: {  	s23 =	simm.s32 $0x1BFF;
	s22 =	sshll.u32 s8, $0x1;
	s5 =	sadd.s32 s6, s20  }
0x9e: {  	s9 =	simm.s32 $0x0;
	s21 =	sshll.u32 s7, $0x1;
	s7 =	sadd.s32 s22, s5  }
0x9f: {  	[timem:s9], [sflag:s23] =	dma.local [hbm:s7], s21  }
0xa0: {  	_ =	swait.ge [sflag:s23], s21  }
0xa1: {  	s6 =	ssub.s32 $0x0, s21;
	[sflag:s23] =	ssyncset.done $0x0  }
0xa2: {  	[sflag:s23] =	ssyncadd.s32 s6;
	_ =	sdelay $0x1  }
0xa3: {  	s24 =	simm.s32 $0x1B8B  }
0xa4: {  	_ =	swait.ge [sflag:s24], $0x1  }
0xa5: {  	[sflag:s24] =	ssyncset.done $0x0  }
0xa6: {  	s25 =	simm.s32 $0x1B8E;
	[sflag:s24] =	ssyncadd.s32 $0xFFFFFFFF  }
0xa7: {  	s26 =	simm.s32 $execute0_lowered;
	[smem:$0x3FD2] =	sst s25  }
0xa8: {  	s6 =	sshll.u32 s26, $0x1;
	_ =	strace $0x80000046;
	[dreg:$0x1] =	wrdreg $0xFFFFFFFF  }
0xa9: {  	s28 =	simm.s32 $_size_execute0_lowered;
	s5 =	sadd.s32 s5, s6;
	[dreg:$0x0] =	wrdreg $0x0  }
0xaa: {  	s6 =	sshll.u32 s28, $0x1;
	[dreg:$0x2] =	wrdreg s5  }
0xab: {  	[dreg:$0x3] =	wrdreg s6  }
0xac: {  	[dreg:$0x4] =	wrdreg $0xC0  }
0xad: {  	_ =	task [dreg:s9], $0x5FFFF  }
0xae: {  	[dreg:$0x1] =	wrdreg $0xFFFFFFFF  }
0xaf: {  	[dreg:$0x0] =	wrdreg $0x60  }
0xb0: {  	[dreg:$0x2] =	wrdreg s2  }
0xb1: {  	[dreg:$0x3] =	wrdreg s19  }
0xb2: {  	[dreg:$0x4] =	wrdreg s4  }
0xb3: {  	[dreg:$0x5] =	wrdreg $0x9  }
0xb4: {  	_ =	task.clear_ibuf [dreg:s9], $0x6FFFF;
	_ =	strace $0x90000046  }
0xb5: {  	s29 =	simm.s32 $0x9;
	_ =	strace $0x80000048  }
0xb6: {  	_ =	swait.ge [sflag:s29], $0x1  }
0xb7: {  	[sflag:s29] =	ssyncadd.s32 $0xFFFFFFFF  }
0xb8: {  	_ =	strace $0x90000048  }
0xb9: {  	_ =	sfence  }
0xba: {  	s30 =	sld [smem:$0x0];
	_ =	sdelay $0x2  }
0xbb: {  	s31 =	sshll.u32 s1, $0xD;
	s1 =	sshrl.u32 s1, $0x2  }
0xbc: {  	s3 =	sand.u32 $0x4000, s31;
	s1 =	sadd.s32 s1, s30  }
0xbd: {  	s0 =	sor.u32 s3, s0;
	s1 =	sshll.u32 s1, $0x11  }
0xbe: {  	s0 =	sor.u32 s1, s0  }
0xbf: {  	s0 =	sadd.s32 $0x8F2B, s0  }
0xc0: {  	[sflag:s0] =	ssyncadd.remote.s32 $0x1  }
0xc1: {  	_ =	sfence.sel $0xFFFF  }
0xc2: {  	[dreg:$0x0] =	wrdreg $0xFFFFFFFF;
	(pc) =	sbr.abs _section_cstart, $3  }
0xc3: {  	[dreg:$0x1] =	wrdreg $0xFFFFFFFF  }
0xc4: {  	_ =	task.clear_ibuf [dreg:s9], $0x2FFFF;
	_ =	strace $0x9FFFFFFF  }
0xc5: {  	(tm) =	ssettm $0x7FFFFFFF  }
tec
execute0_lowered:
.L_overlay_start_1:
0x0: {  	(tag) =	ssettag $0x1  }
0x1: {  	v0 =	vimm.f32 $7.000000000e+00  }
0x2: {  	vm13 =	vcmask $0x300;
	vm0 =	vcmask $0x1B00;
	vm12 =	vcmask $0xB08  }
0x3: {  	v1 =	vimm.f32 $2.500000000e+00;
	vm11 =	vcmask $0xF0C;
	vm10 =	vcmask $0x1310  }
0x4: {  	vm9 =	vcmask $0x1714;
	vm8 =	vcmask $0x1B18;
	vm7 =	vcmask $0x1F1C  }
0x5: {  	v2 =	vimm.f32 $3.500000000e+00;
	vm6 =	vcmask $0x2724;
	vm5 =	vcmask $0x2B28  }
0x6: {  	vm4 =	vcmask $0x2F2C;
	vm3 =	vcmask $0x3330;
	vm2 =	vcmask $0x3734  }
0x7: {  	vm1 =	vcmask $0x3B38;
	v4 =	vimm.f32 $4.500000000e+00;
	v8 =	vimm.f32 $5.000000000e-01  }
0x8: {  	vm15 =	vcmask $0x704;
	v9 =	vimm.f32 $9.500000000e+00;
	vm14 =	vcmask $0x2320  }
0x9: {  	v13 =	vimm.s32 $0x1B80;
	v14 =	vimm.s32 $0x2B80;
	v15 =	vimm.s32 $0x3B80  }
0xa: {  	v1 =	vsel vm0, $0x3F000000, v1;
	vm0 =	vcmask $0x371C;
	v2 =	vsel vm13, $0x40200000, v2  }
0xb: {  	s1 =	rddreg [dreg:$0x0];
	s2 =	simm.s32 $0x0;
	v9 =	vsel vm13, $0x40D00000, v9;
	v13 =	vsel vm13, $0x1000, v13;
	v14 =	vsel vm13, $0x2000, v14  }
0xc: {  	[smem:$0x7FF] =	sst s2;
	v15 =	vsel vm13, $0x3000, v15;
	v1 =	vsel vm0, $0x3FC00000, v1;
	v2 =	vsel vm12, $0x40900000, v2  }
0xd: {  	s0 =	rddreg [dreg:$0x1];
	_ =	strace $0x80000047;
	vm0 =	vcmask $0x1300;
	v13 =	vsel vm15, $0x1080, v13;
	v14 =	vsel vm15, $0x2080, v14  }
0xe: {  	v15 =	vsel vm15, $0x3080, v15;
	(erf) = vrcp.f32 v0;
	v0 =	vimm.f32 $1.500000000e+00  }
0xf: {  	v2 =	vsel vm11, $0x40B00000, v2;
	v4 =	vsel vm0, $0x40200000, v4;
	vm0 =	vcmask $0x2F14  }
0x10: {  	v13 =	vsel vm12, $0x1100, v13;
	v14 =	vsel vm12, $0x2100, v14;
	v15 =	vsel vm12, $0x3100, v15  }
0x11: {  	v0 =	vsel vm13, $0x3F000000, v0;
	v2 =	vsel vm10, $0x40D00000, v2;
	v4 =	vsel vm0, $0x40600000, v4  }
0x12: {  	vm0 =	vcmask $0xB00;
	v13 =	vsel vm11, $0x1180, v13;
	v14 =	vsel vm11, $0x2180, v14  }
0x13: {  	v15 =	vsel vm11, $0x3180, v15;
	v0 =	vsel vm12, $0x40200000, v0;
	v2 =	vsel vm9, $0x3F000000, v2  }
0x14: {  	v13 =	vsel vm10, $0x1200, v13;
	v14 =	vsel vm10, $0x2200, v14;
	v15 =	vsel vm10, $0x3200, v15  }
0x15: {  	v0 =	vsel vm11, $0x40600000, v0;
	v2 =	vsel vm8, $0x3FC00000, v2;
	v13 =	vsel vm9, $0x1280, v13  }
0x16: {  	v14 =	vsel vm9, $0x2280, v14;
	v15 =	vsel vm9, $0x3280, v15;
	v0 =	vsel vm10, $0x40900000, v0  }
0x17: {  	v2 =	vsel vm7, $0x40200000, v2;
	v13 =	vsel vm8, $0x1300, v13;
	v14 =	vsel vm8, $0x2300, v14  }
0x18: {  	v15 =	vsel vm8, $0x3300, v15;
	v0 =	vsel vm9, $0x40B00000, v0;
	v2 =	vsel vm6, $0x40900000, v2  }
0x19: {  	v13 =	vsel vm7, $0x1380, v13;
	v14 =	vsel vm7, $0x2380, v14;
	v15 =	vsel vm7, $0x3380, v15  }
0x1a: {  	v0 =	vsel vm8, $0x40D00000, v0;
	v2 =	vsel vm5, $0x40B00000, v2;
	v13 =	vsel vm14, $0x1800, v13  }
0x1b: {  	v14 =	vsel vm14, $0x2800, v14;
	v15 =	vsel vm14, $0x3800, v15;
	v0 =	vsel vm7, $0x3F000000, v0  }
0x1c: {  	v2 =	vsel vm4, $0x40D00000, v2;
	v13 =	vsel vm6, $0x1880, v13;
	v0 =	vsel vm6, $0x40200000, v0  }
0x1d: {  	v14 =	vsel vm6, $0x2880, v14;
	v15 =	vsel vm6, $0x3880, v15;
	v0 =	vsel vm5, $0x40600000, v0  }
0x1e: {  	v2 =	vsel vm3, $0x3F000000, v2;
	v13 =	vsel vm5, $0x1900, v13;
	v0 =	vsel vm4, $0x40900000, v0  }
0x1f: {  	v14 =	vsel vm5, $0x2900, v14;
	v15 =	vsel vm5, $0x3900, v15;
	v0 =	vsel vm3, $0x40B00000, v0  }
0x20: {  	v7 =	vpop (erf);
	v2 =	vsel vm2, $0x3FC00000, v2;
	v13 =	vsel vm4, $0x1980, v13;
	v3 =	vsel vm2, $0x40D00000, v0  }
0x21: {  	v0 =	vmul.f32 v1, v7;
	v1 =	vsel vm1, $0x3F000000, v3;
	v3 =	vimm.f32 $5.500000000e+00  }
0x22: {  	v14 =	vsel vm4, $0x2980, v14;
	v15 =	vsel vm4, $0x3980, v15;
	v3 =	vsel vm13, $0x40900000, v3  }
0x23: {  	v5 =	vsel vm1, $0x40200000, v2;
	v2 =	vmul.f32 v4, v7;
	v3 =	vsel vm12, $0x40D00000, v3  }
0x24: {  	v13 =	vsel vm3, $0x1A00, v13;
	v14 =	vsel vm3, $0x2A00, v14;
	v3 =	vsel vm11, $0x3F000000, v3  }
0x25: {  	v15 =	vsel vm3, $0x3A00, v15;
	v13 =	vsel vm2, $0x1A80, v13;
	v3 =	vsel vm10, $0x3FC00000, v3  }
0x26: {  	v14 =	vsel vm2, $0x2A80, v14;
	v15 =	vsel vm2, $0x3A80, v15;
	v6 =	vsel vm9, $0x40200000, v3  }
0x27: {  	v3 =	vmul.f32 v5, v7;
	v5 =	vimm.f32 $6.500000000e+00;
	v4 =	vsel vm8, $0x40600000, v6  }
0x28: {  	v5 =	vsel vm0, $0x40900000, v5;
	vm0 =	vcmask $0x270C;
	v4 =	vsel vm7, $0x40900000, v4  }
0x29: {  	v13 =	vsel vm1, $0x1B00, v13;
	v5 =	vsel vm0, $0x40B00000, v5;
	v4 =	vsel vm6, $0x40D00000, v4  }
0x2a: {  	v14 =	vsel vm1, $0x2B00, v14;
	v6 =	vsel vm5, $0x3F000000, v4;
	v4 =	vmul.f32 v5, v7  }
0x2b: {  	v5 =	vsel vm4, $0x3FC00000, v6;
	v6 =	vsel vm13, $0x40D00000, v8;
	v8 =	vimm.s32 $0xB80  }
0x2c: {  	v15 =	vsel vm1, $0x3B00, v15;
	v6 =	vsel vm12, $0x3FC00000, v6;
	v8 =	vsel vm13, $0x0, v8  }
0x2d: {  	s25 =	srdreg.scid;
	v1 =	vmul.f32 v1, v7;
	v6 =	vsel vm11, $0x40200000, v6;
	v8 =	vsel vm15, $0x80, v8  }
0x2e: {  	s3 =	stileid.u32;
	s8 =	simm.s32 $0x2;
	s9 =	simm.s32 $0x480;
	vm0 =	vcmask $0x1F04;
	v6 =	vsel vm10, $0x40600000, v6;
	v8 =	vsel vm12, $0x100, v8  }
0x2f: {  	s16 =	simm.s32 $0x4480;
	s18 =	simm.s32 $0x5480;
	s19 =	simm.s32 $0x5C80;
	v9 =	vsel vm0, $0x40F00000, v9;
	v6 =	vsel vm9, $0x40900000, v6;
	v8 =	vsel vm11, $0x180, v8  }
0x30: {  	s20 =	simm.s32 $0x6480;
	s21 =	simm.s32 $0x6C80;
	s22 =	simm.s32 $0x7480;
	vm0 =	vcmask $0x3B20;
	v6 =	vsel vm8, $0x40B00000, v6;
	v8 =	vsel vm10, $0x200, v8  }
0x31: {  	s23 =	simm.s32 $0x8480;
	s24 =	simm.s32 $0x8C80;
	s28 =	simm.s32 $0xA480;
	v9 =	vsel vm0, $0x41080000, v9;
	v6 =	vsel vm7, $0x40D00000, v6;
	v8 =	vsel vm9, $0x280, v8  }
0x32: {  	s29 =	simm.s32 $0xAC80;
	s30 =	simm.s32 $0xB480;
	s31 =	simm.s32 $0xC480;
	vm0 =	vmmov $0xffff;
	v6 =	vsel vm6, $0x3FC00000, v6;
	v8 =	vsel vm8, $0x300, v8  }
0x33: {  	s6 =	simm.s32 $0xDC80;
	s2 =	sand.u32 $0x1, s25;
	s3 =	sshll.u32 s3, $0x1;
	v5 =	vsel vm3, $0x40200000, v5;
	v6 =	vsel vm5, $0x40200000, v6;
	v8 =	vsel vm7, $0x380, v8  }
0x34: {  	s7 =	simm.s32 $0xE480;
	s10 =	simm.s32 $0x1;
	s3 =	sor.u32 s2, s3;
	v5 =	vsel vm2, $0x40600000, v5;
	v6 =	vsel vm4, $0x40600000, v6;
	v8 =	vsel vm14, $0x800, v8  }
0x35: {  	s11 =	simm.s32 $0x10480;
	s2 =	ssub.s32 $0x2, s2;
	s4 =	smul.u32 $0x50, s3;
	v5 =	vsel vm1, $0x40900000, v5;
	v6 =	vsel vm3, $0x40900000, v6;
	v8 =	vsel vm6, $0x880, v8  }
.Ltmp0:
0x36: {  	s13 =	simm.s32 $0x0;
	s5 =	sshrl.u32 s2, $0x1;
	v5 =	vmul.f32 v5, v7;
	v6 =	vsel vm2, $0x40B00000, v6;
	v8 =	vsel vm5, $0x900, v8;
	(pc) =	sbr.rel .LBB2_1-.Ltmp0, $4  }
0x37: {  	s25 =	simm.s32 $0x9480;
	s2 =	ssub.s32 s2, s5;
	s5 =	smul.u32 $0xA0, s3;
	v10 =	vsel vm1, $0x40D00000, v6;
	v6 =	vmul.f32 v9, v7;
	v9 =	vsel vm4, $0x980, v8  }
0x38: {  	s3 =	simm.s32 $0xF480;
	s0 =	sadd.s32 s0, s4;
	s26 =	smax.u32 s2, $0x1;
	v8 =	vlaneseq.u32;
	v7 =	vmul.f32 v10, v7;
	v10 =	vsel vm3, $0xA00, v9  }
0x39: {  	s4 =	simm.s32 $0xD480;
	s2 =	simm.s32 $0xEC80;
	[dreg:$0x4] =	wrdreg s0;
	v9 =	vand.u32 $0x7, v8;
	v11 =	vshrl.u32 v8, $0x3;
	v12 =	vsel vm2, $0xA80, v10  }
0x3a: {  	[dreg:$0x5] =	wrdreg s26;
	s26 =	simm.s32 $0x9C80;
	s0 =	simm.s32 $0xCC80;
	v10 =	vmul.u32 $0x8, v11;
	v11 =	vor.u32 $0x8, v8;
	v12 =	vsel vm1, $0xB00, v12  }
.LBB2_13:
0x3b: {  	s13 =	rddreg [dreg:$0x6]  }
0x3c: {  	s12 =	rddreg [dreg:$0x5];
	s13 =	sadd.s32 $0x1, s13  }
0x3d: {  	p0 =	sne.s32 s13, s12  }
.Ltmp1:
0x3e: {  	_ = 	snop;
	(pc) =	sbr.rel @!p0 .LBB2_14-.Ltmp1, $1  }
0x3f: {  	_ =	sdelay $0x3  }
.LBB2_1:
0x40: {  	[dreg:$0x6] =	wrdreg s13  }
.Ltmp2:
0x41: {  	s12 =	simm.s32 $0x0;
	s17 =	rddreg [dreg:$0x4];
	(pc) =	sbr.rel .LBB2_2-.Ltmp2, $4  }
0x42: {  	[tilespmem:s12], [sflag:$0x2] =	stream.linear.gather [hbm4b:s17+s12], $0x280, $0x38;
	[tilespmem:$0x14480] =	vst v63  }
0x43: {  	_ =	swait.ge [sflag:s8], $0x280  }
0x44: {  	[sflag:s8] =	ssyncset.done $0x0  }
0x45: {  	s12 =	simm.s32 $0x0;
	[sflag:s8] =	ssyncadd.s32 $0xFFFFFD80  }
.LBB2_12:
0x46: {  	s12 =	sadd.s32 $0x1, s12  }
0x47: {  	p0 =	sne.s32 s12, $0xA0  }
.Ltmp3:
0x48: {  	_ = 	snop;
	(pc) =	sbr.rel @!p0 .LBB2_13-.Ltmp3, $1  }
0x49: {  	_ =	sdelay $0x3  }
.LBB2_2:
0x4a: {  	s13 =	sadd.s32 s5, s12  }
0x4b: {  	p0 =	sgt.u32 s13, $0x1387  }
.Ltmp4:
0x4c: {  	_ = 	snop;
	(pc) =	sbr.rel @p0 .LBB2_12-.Ltmp4, $1  }
0x4d: {  	_ =	sdelay $0x3  }
0x4e: {  	s14 =	sshll.u32 s12, $0x2  }
0x4f: {  	v16 =	vmov s14  }
0x50: {  	v17 =	vor.u32 $0x1, v16  }
0x51: {  	v18 =	vor.u32 $0x2, v16  }
0x52: {  	v19 =	vor.u32 $0x3, v16  }
0x53: {  	s14 =	simm.s32 $0x0  }
0x54: {  	v16 =	vld.idx.msk [tilespmem:v16+s14+$0x0], $0xffff  }
0x55: {  	v17 =	vld.idx.msk [tilespmem:v17+s14+$0x0], $0xffff  }
0x56: {  	v18 =	vld.idx.msk [tilespmem:v18+s14+$0x0], $0xffff  }
0x57: {  	v19 =	vld.idx.msk [tilespmem:v19+s14+$0x0], $0xffff;
	_ =	sdelay $0x3  }
0x58: {  	v32 =	vmin.f32 v16, v18  }
0x59: {  	v16 =	vmax.f32 v16, v18;
	v18 =	vmin.f32 v17, v19;
	v17 =	vmax.f32 v17, v19  }
0x5a: {  	v16 =	vsub.f32 v16, v32;
	v17 =	vsub.f32 v17, v18;
	_ =	sdelay $0x1  }
0x5b: {  	v19 =	vmul.f32 v16, v0;
	v20 =	vmul.f32 v17, v1;
	_ =	sdelay $0x1  }
0x5c: {  	v19 =	vadd.f32 v19, v32;
	v20 =	vadd.f32 v20, v18;
	_ =	sdelay $0x1  }
0x5d: {  	v28 =	vmul.f32 $1.270000000e+02, v19;
	v29 =	vmul.f32 $1.270000000e+02, v20  }
0x5e: {  	v36 =	vmul.f32 v17, v5;
	v20 =	vmul.f32 v16, v2  }
0x5f: {  	v19 =	vtrunc.f32 v28;
	v21 =	vtrunc.f32 v29  }
0x60: {  	v20 =	vadd.f32 v20, v32;
	v30 =	vcvt.f32.s32 v19;
	v19 =	vmul.f32 v17, v3  }
0x61: {  	v31 =	vcvt.f32.s32 v21;
	v17 =	vmul.f32 v17, v7  }
0x62: {  	v24 =	vmul.f32 $1.270000000e+02, v20;
	vm1 =	vlt.s32 v30, $0x7F  }
0x63: {  	v19 =	vadd.f32 v19, v18;
	vm2 =	vlt.s32 v31, $0x7E;
	v17 =	vadd.f32 v17, v18  }
0x64: {  	v21 =	vnsel vm1, $0x7F, v30;
	vm1 =	vlt.s32 v31, $0x7F;
	v20 =	vnsel vm2, $0x7E, v31  }
0x65: {  	v22 =	vtrunc.f32 v24;
	v25 =	vmul.f32 $1.270000000e+02, v19;
	v19 =	vnsel vm1, $0x7F, v31  }
0x66: {  	vm1 =	vlt.s32 v30, $0x7E;
	v26 =	vcvt.f32.s32 v22;
	v33 =	vadd.s32 $0x1, v20  }
0x67: {  	v20 =	vshll.u32 v21, $0x7;
	v17 =	vmul.f32 $1.270000000e+02, v17;
	v23 =	vnsel vm1, $0x7E, v30  }
0x68: {  	v34 =	vadd.s32 v19, v20;
	v37 =	vadd.s32 v20, v33;
	v22 =	vtrunc.f32 v25  }
0x69: {  	v21 =	vshll.u32 v23, $0x7;
	vm1 =	vlt.s32 v26, $0x7F;
	v23 =	vmul.f32 v16, v4  }
0x6a: {  	v16 =	vmul.f32 v16, v6;
	v27 =	vcvt.f32.s32 v22;
	v21 =	vadd.s32 $0x80, v21  }
0x6b: {  	v22 =	vnsel vm1, $0x7F, v26;
	v23 =	vadd.f32 v23, v32;
	v19 =	vadd.s32 v19, v21  }
0x6c: {  	[tilespmem:$0x280] =	vst v34;
	v33 =	vadd.s32 v33, v21;
	v22 =	vshll.u32 v22, $0x7;
	vm1 =	vlt.s32 v27, $0x7F  }
0x6d: {  	v52 =	vld [tilespmem:$0x280];
	v16 =	vadd.f32 v16, v32;
	[tilespmem:$0x380] =	vst v19;
	v19 =	vtrunc.f32 v17;
	v35 =	vnsel vm1, $0x7F, v27  }
0x6e: {  	vm1 =	vlt.s32 v27, $0x7E;
	v20 =	vmul.f32 $1.270000000e+02, v23;
	v23 =	vadd.f32 v36, v18  }
0x6f: {  	v16 =	vmul.f32 $1.270000000e+02, v16;
	v38 =	vnsel vm1, $0x7E, v27;
	vm1 =	vlt.s32 v26, $0x7E  }
0x70: {  	v19 =	vcvt.f32.s32 v19;
	v39 =	vadd.s32 v35, v22;
	v46 =	vnsel vm1, $0x7E, v26  }
0x71: {  	v38 =	vadd.s32 $0x1, v38;
	v21 =	vmul.f32 $1.270000000e+02, v23;
	v23 =	vtrunc.f32 v20  }
0x72: {  	v18 =	vtrunc.f32 v16;
	v58 =	vshll.u32 v52, $0x1;
	v59 =	vand.u32 $0x7, v52  }
0x73: {  	v40 =	vadd.s32 v22, v38;
	v22 =	vcvt.f32.s32 v23;
	v23 =	vshll.u32 v46, $0x7  }
0x74: {  	v18 =	vcvt.f32.s32 v18;
	v47 =	vtrunc.f32 v21;
	v41 =	vadd.s32 $0x80, v23  }
0x75: {  	[tilespmem:$0x310] =	vst v40;
	v40 =	vand.u32 $0xFFFFFFF0, v58;
	v23 =	vcvt.f32.s32 v47;
	v35 =	vadd.s32 v35, v41  }
0x76: {  	[tilespmem:$0x300] =	vst v37;
	vm1 =	vlt.s32 v22, $0x7F;
	v50 =	vadd.s32 v38, v41;
	v37 =	vor.u32 v59, v40  }
0x77: {  	v48 =	vnsel vm1, $0x7F, v22;
	v62 =	vperm.xlane v37, v9;
	vm1 =	vlt.s32 v23, $0x7F  }
0x78: {  	v37 =	vperm.xlane v37, v11;
	v36 =	vnsel vm1, $0x7F, v23;
	vm1 =	vlt.s32 v22, $0x7E  }
0x79: {  	[tilespmem:$0x400] =	vst v33;
	v32 =	vshll.u32 v48, $0x7;
	v49 =	vnsel vm1, $0x7E, v22;
	vm1 =	vlt.s32 v23, $0x7E  }
0x7a: {  	[tilespmem:$0x290] =	vst v39;
	v42 =	vadd.s32 v10, v62;
	v54 =	vadd.s32 v36, v32;
	v51 =	vnsel vm1, $0x7E, v23  }
0x7b: {  	[tilespmem:$0x390] =	vst v35;
	v34 =	vshll.u32 v49, $0x7;
	vm1 =	vlt.s32 v18, $0x7F;
	v53 =	vadd.s32 $0x1, v51  }
0x7c: {  	[tilespmem:$0x410] =	vst v50;
	v34 =	vadd.s32 $0x80, v34;
	v55 =	vnsel vm1, $0x7F, v18;
	vm1 =	vlt.s32 v19, $0x7F  }
0x7d: {  	[tilespmem:$0x2A0] =	vst v54;
	v32 =	vadd.s32 v32, v53;
	v57 =	vnsel vm1, $0x7F, v19;
	vm1 =	vlt.s32 v19, $0x7E  }
0x7e: {  	v56 =	vadd.s32 v36, v34;
	v60 =	vnsel vm1, $0x7E, v19;
	[tilespmem:$0x320] =	vst v32;
	vm1 =	vlt.s32 v18, $0x7E  }
0x7f: {  	v33 =	vadd.s32 v53, v34;
	v61 =	vshll.u32 v55, $0x7;
	[tilespmem:$0x3A0] =	vst v56;
	v63 =	vnsel vm1, $0x7E, v18  }
0x80: {  	v39 =	vadd.s32 v57, v61;
	[tilespmem:$0x420] =	vst v33;
	v34 =	vadd.s32 $0x1, v60;
	v41 =	vshll.u32 v63, $0x7  }
0x81: {  	[tilespmem:$0x2B0] =	vst v39;
	v32 =	vadd.s32 v61, v34;
	v33 =	vadd.s32 $0x80, v41  }
0x82: {  	v43 =	vadd.s32 v10, v37;
	[tilespmem:$0x330] =	vst v32;
	v36 =	vadd.s32 v57, v33  }
0x83: {  	v33 =	vadd.s32 v34, v33;
	[tilespmem:$0x3B0] =	vst v36  }
0x84: {  	[tilespmem:$0x430] =	vst v33  }
0x85: {  	[tilespmem:s9], [sflag:$0x1] =	stream.indirect_vreg.gather [hbm4b:s1+s14], $0x80, v42, vm0, $0xb8;
	[tilespmem:$0x14480] =	vst v63  }
0x86: {  	s15 =	simm.s32 $0xC80  }
0x87: {  	[tilespmem:s15], [sflag:$0x1] =	stream.indirect_vreg.gather [hbm4b:s1+s14], $0x80, v43, vm0, $0xb8;
	[tilespmem:$0x14480] =	vst v63  }
0x88: {  	v32 =	vld [tilespmem:$0x290];
	_ =	sdelay $0x4  }
0x89: {  	v44 =	vshll.u32 v32, $0x1  }
0x8a: {  	v32 =	vand.u32 $0x7, v32;
	v33 =	vand.u32 $0xFFFFFFF0, v44  }
0x8b: {  	v32 =	vor.u32 v32, v33  }
0x8c: {  	v33 =	vperm.xlane v32, v9;
	_ =	sdelay $0x1  }
0x8d: {  	v32 =	vperm.xlane v32, v11;
	v33 =	vadd.s32 v10, v33;
	_ =	sdelay $0x1  }
0x8e: {  	v32 =	vadd.s32 v10, v32;
	_ =	sdelay $0x1  }
0x8f: {  	s17 =	simm.s32 $0x1480  }
0x90: {  	[tilespmem:s17], [sflag:$0x1] =	stream.indirect_vreg.gather [hbm4b:s1+s14], $0x80, v33, vm0, $0xb8;
	[tilespmem:$0x14480] =	vst v63  }
0x91: {  	s17 =	simm.s32 $0x1C80  }
0x92: {  	[tilespmem:s17], [sflag:$0x1] =	stream.indirect_vreg.gather [hbm4b:s1+s14], $0x80, v32, vm0, $0xb8;
	[tilespmem:$0x14480] =	vst v63  }
0x93: {  	v32 =	vld [tilespmem:$0x2A0];
	_ =	sdelay $0x4  }
0x94: {  	v45 =	vshll.u32 v32, $0x1  }
0x95: {  	v32 =	vand.u32 $0x7, v32;
	v33 =	vand.u32 $0xFFFFFFF0, v45  }
0x96: {  	v32 =	vor.u32 v32, v33  }
0x97: {  	v33 =	vperm.xlane v32, v9;
	_ =	sdelay $0x1  }
0x98: {  	v32 =	vperm.xlane v32, v11;
	v33 =	vadd.s32 v10, v33;
	_ =	sdelay $0x1  }
0x99: {  	v32 =	vadd.s32 v10, v32;
	_ =	sdelay $0x1  }
0x9a: {  	s17 =	simm.s32 $0x2480  }
0x9b: {  	[tilespmem:s17], [sflag:$0x1] =	stream.indirect_vreg.gather [hbm4b:s1+s14], $0x80, v33, vm0, $0xb8;
	[tilespmem:$0x14480] =	vst v63  }
0x9c: {  	s17 =	simm.s32 $0x2C80  }
0x9d: {  	[tilespmem:s17], [sflag:$0x1] =	stream.indirect_vreg.gather [hbm4b:s1+s14], $0x80, v32, vm0, $0xb8;
	[tilespmem:$0x14480] =	vst v63  }
0x9e: {  	v32 =	vld.msk [tilespmem:$0x2B0], $0xff;
	_ =	sdelay $0x4  }
0x9f: {  	v46 =	vshll.u32 v32, $0x1  }
0xa0: {  	v32 =	vand.u32 $0x7, v32;
	v33 =	vand.u32 $0xFFFFFFF0, v46  }
0xa1: {  	v32 =	vor.u32 v32, v33  }
0xa2: {  	v32 =	vperm.xlane v32, v9;
	_ =	sdelay $0x1  }
0xa3: {  	v32 =	vadd.s32 v10, v32;
	_ =	sdelay $0x3  }
0xa4: {  	s17 =	simm.s32 $0x3480  }
0xa5: {  	[tilespmem:s17], [sflag:$0x1] =	stream.indirect_vreg.gather [hbm4b:s1+s14], $0x80, v32, vm0, $0xb8;
	[tilespmem:$0x14480] =	vst v63  }
0xa6: {  	v32 =	vld [tilespmem:$0x300];
	_ =	sdelay $0x4  }
0xa7: {  	v47 =	vshll.u32 v32, $0x1  }
0xa8: {  	v32 =	vand.u32 $0x7, v32;
	v33 =	vand.u32 $0xFFFFFFF0, v47  }
0xa9: {  	v32 =	vor.u32 v32, v33  }
0xaa: {  	v33 =	vperm.xlane v32, v9;
	_ =	sdelay $0x1  }
0xab: {  	v32 =	vperm.xlane v32, v11;
	v33 =	vadd.s32 v10, v33;
	_ =	sdelay $0x1  }
0xac: {  	v32 =	vadd.s32 v10, v32;
	_ =	sdelay $0x2  }
0xad: {  	[tilespmem:s16], [sflag:$0x1] =	stream.indirect_vreg.gather [hbm4b:s1+s14], $0x80, v33, vm0, $0xb8;
	[tilespmem:$0x14480] =	vst v63  }
0xae: {  	s17 =	simm.s32 $0x4C80  }
0xaf: {  	[tilespmem:s17], [sflag:$0x1] =	stream.indirect_vreg.gather [hbm4b:s1+s14], $0x80, v32, vm0, $0xb8;
	[tilespmem:$0x14480] =	vst v63  }
0xb0: {  	v32 =	vld [tilespmem:$0x310];
	_ =	sdelay $0x4  }
0xb1: {  	v48 =	vshll.u32 v32, $0x1  }
0xb2: {  	v32 =	vand.u32 $0x7, v32;
	v33 =	vand.u32 $0xFFFFFFF0, v48  }
0xb3: {  	v32 =	vor.u32 v32, v33  }
0xb4: {  	v33 =	vperm.xlane v32, v9;
	_ =	sdelay $0x1  }
0xb5: {  	v32 =	vperm.xlane v32, v11;
	v33 =	vadd.s32 v10, v33;
	_ =	sdelay $0x1  }
0xb6: {  	v32 =	vadd.s32 v10, v32;
	_ =	sdelay $0x2  }
0xb7: {  	[tilespmem:s18], [sflag:$0x1] =	stream.indirect_vreg.gather [hbm4b:s1+s14], $0x80, v33, vm0, $0xb8;
	[tilespmem:$0x14480] =	vst v63  }
0xb8: {  	_ = 	snop  }
0xb9: {  	[tilespmem:s19], [sflag:$0x1] =	stream.indirect_vreg.gather [hbm4b:s1+s14], $0x80, v32, vm0, $0xb8;
	[tilespmem:$0x14480] =	vst v63  }
0xba: {  	v32 =	vld [tilespmem:$0x320];
	_ =	sdelay $0x4  }
0xbb: {  	v49 =	vshll.u32 v32, $0x1  }
0xbc: {  	v32 =	vand.u32 $0x7, v32;
	v33 =	vand.u32 $0xFFFFFFF0, v49  }
0xbd: {  	v32 =	vor.u32 v32, v33  }
0xbe: {  	v33 =	vperm.xlane v32, v9;
	_ =	sdelay $0x1  }
0xbf: {  	v32 =	vperm.xlane v32, v11;
	v33 =	vadd.s32 v10, v33;
	_ =	sdelay $0x1  }
0xc0: {  	v32 =	vadd.s32 v10, v32;
	_ =	sdelay $0x2  }
0xc1: {  	[tilespmem:s20], [sflag:$0x1] =	stream.indirect_vreg.gather [hbm4b:s1+s14], $0x80, v33, vm0, $0xb8;
	[tilespmem:$0x14480] =	vst v63  }
0xc2: {  	_ = 	snop  }
0xc3: {  	[tilespmem:s21], [sflag:$0x1] =	stream.indirect_vreg.gather [hbm4b:s1+s14], $0x80, v32, vm0, $0xb8;
	[tilespmem:$0x14480] =	vst v63  }
0xc4: {  	v32 =	vld.msk [tilespmem:$0x330], $0xff;
	_ =	sdelay $0x4  }
0xc5: {  	v50 =	vshll.u32 v32, $0x1  }
0xc6: {  	v32 =	vand.u32 $0x7, v32;
	v33 =	vand.u32 $0xFFFFFFF0, v50  }
0xc7: {  	v32 =	vor.u32 v32, v33  }
0xc8: {  	v32 =	vperm.xlane v32, v9;
	_ =	sdelay $0x1  }
0xc9: {  	v32 =	vadd.s32 v10, v32;
	_ =	sdelay $0x4  }
0xca: {  	[tilespmem:s22], [sflag:$0x1] =	stream.indirect_vreg.gather [hbm4b:s1+s14], $0x80, v32, vm0, $0xb8;
	[tilespmem:$0x14480] =	vst v63  }
0xcb: {  	v32 =	vld [tilespmem:$0x380];
	_ =	sdelay $0x4  }
0xcc: {  	v51 =	vshll.u32 v32, $0x1  }
0xcd: {  	v32 =	vand.u32 $0x7, v32;
	v33 =	vand.u32 $0xFFFFFFF0, v51  }
0xce: {  	v32 =	vor.u32 v32, v33  }
0xcf: {  	v33 =	vperm.xlane v32, v9;
	_ =	sdelay $0x1  }
0xd0: {  	v32 =	vperm.xlane v32, v11;
	v33 =	vadd.s32 v10, v33;
	_ =	sdelay $0x1  }
0xd1: {  	v32 =	vadd.s32 v10, v32;
	_ =	sdelay $0x2  }
0xd2: {  	[tilespmem:s23], [sflag:$0x1] =	stream.indirect_vreg.gather [hbm4b:s1+s14], $0x80, v33, vm0, $0xb8;
	[tilespmem:$0x14480] =	vst v63  }
0xd3: {  	_ = 	snop  }
0xd4: {  	[tilespmem:s24], [sflag:$0x1] =	stream.indirect_vreg.gather [hbm4b:s1+s14], $0x80, v32, vm0, $0xb8;
	[tilespmem:$0x14480] =	vst v63  }
0xd5: {  	v32 =	vld [tilespmem:$0x390];
	_ =	sdelay $0x4  }
0xd6: {  	v52 =	vshll.u32 v32, $0x1  }
0xd7: {  	v32 =	vand.u32 $0x7, v32;
	v33 =	vand.u32 $0xFFFFFFF0, v52  }
0xd8: {  	v32 =	vor.u32 v32, v33  }
0xd9: {  	v33 =	vperm.xlane v32, v9;
	_ =	sdelay $0x1  }
0xda: {  	v32 =	vperm.xlane v32, v11;
	v33 =	vadd.s32 v10, v33;
	_ =	sdelay $0x1  }
0xdb: {  	v32 =	vadd.s32 v10, v32;
	_ =	sdelay $0x2  }
0xdc: {  	[tilespmem:s25], [sflag:$0x1] =	stream.indirect_vreg.gather [hbm4b:s1+s14], $0x80, v33, vm0, $0xb8;
	[tilespmem:$0x14480] =	vst v63  }
0xdd: {  	_ = 	snop  }
0xde: {  	[tilespmem:s26], [sflag:$0x1] =	stream.indirect_vreg.gather [hbm4b:s1+s14], $0x80, v32, vm0, $0xb8;
	[tilespmem:$0x14480] =	vst v63  }
0xdf: {  	v32 =	vld [tilespmem:$0x3A0];
	_ =	sdelay $0x4  }
0xe0: {  	v53 =	vshll.u32 v32, $0x1  }
0xe1: {  	v32 =	vand.u32 $0x7, v32;
	v33 =	vand.u32 $0xFFFFFFF0, v53  }
0xe2: {  	v32 =	vor.u32 v32, v33  }
0xe3: {  	v33 =	vperm.xlane v32, v9;
	_ =	sdelay $0x1  }
0xe4: {  	v32 =	vperm.xlane v32, v11;
	v33 =	vadd.s32 v10, v33;
	_ =	sdelay $0x1  }
0xe5: {  	v32 =	vadd.s32 v10, v32;
	_ =	sdelay $0x2  }
0xe6: {  	[tilespmem:s28], [sflag:$0x1] =	stream.indirect_vreg.gather [hbm4b:s1+s14], $0x80, v33, vm0, $0xb8;
	[tilespmem:$0x14480] =	vst v63  }
0xe7: {  	_ = 	snop  }
0xe8: {  	[tilespmem:s29], [sflag:$0x1] =	stream.indirect_vreg.gather [hbm4b:s1+s14], $0x80, v32, vm0, $0xb8;
	[tilespmem:$0x14480] =	vst v63  }
0xe9: {  	v32 =	vld.msk [tilespmem:$0x3B0], $0xff;
	_ =	sdelay $0x4  }
0xea: {  	v54 =	vshll.u32 v32, $0x1  }
0xeb: {  	v32 =	vand.u32 $0x7, v32;
	v33 =	vand.u32 $0xFFFFFFF0, v54  }
0xec: {  	v32 =	vor.u32 v32, v33  }
0xed: {  	v32 =	vperm.xlane v32, v9;
	_ =	sdelay $0x1  }
0xee: {  	v32 =	vadd.s32 v10, v32;
	_ =	sdelay $0x4  }
0xef: {  	[tilespmem:s30], [sflag:$0x1] =	stream.indirect_vreg.gather [hbm4b:s1+s14], $0x80, v32, vm0, $0xb8;
	[tilespmem:$0x14480] =	vst v63  }
0xf0: {  	v32 =	vld [tilespmem:$0x400];
	_ =	sdelay $0x4  }
0xf1: {  	v55 =	vshll.u32 v32, $0x1  }
0xf2: {  	v32 =	vand.u32 $0x7, v32;
	v33 =	vand.u32 $0xFFFFFFF0, v55  }
0xf3: {  	v32 =	vor.u32 v32, v33  }
0xf4: {  	v33 =	vperm.xlane v32, v9;
	_ =	sdelay $0x1  }
0xf5: {  	v32 =	vperm.xlane v32, v11;
	v33 =	vadd.s32 v10, v33;
	_ =	sdelay $0x1  }
0xf6: {  	v32 =	vadd.s32 v10, v32;
	_ =	sdelay $0x2  }
0xf7: {  	[tilespmem:s31], [sflag:$0x1] =	stream.indirect_vreg.gather [hbm4b:s1+s14], $0x80, v33, vm0, $0xb8;
	[tilespmem:$0x14480] =	vst v63  }
0xf8: {  	_ = 	snop  }
0xf9: {  	[tilespmem:s0], [sflag:$0x1] =	stream.indirect_vreg.gather [hbm4b:s1+s14], $0x80, v32, vm0, $0xb8;
	[tilespmem:$0x14480] =	vst v63  }
0xfa: {  	v32 =	vld [tilespmem:$0x410];
	_ =	sdelay $0x4  }
0xfb: {  	v56 =	vshll.u32 v32, $0x1  }
0xfc: {  	v32 =	vand.u32 $0x7, v32;
	v33 =	vand.u32 $0xFFFFFFF0, v56  }
0xfd: {  	v32 =	vor.u32 v32, v33  }
0xfe: {  	v33 =	vperm.xlane v32, v9;
	_ =	sdelay $0x1  }
0xff: {  	v32 =	vperm.xlane v32, v11;
	v33 =	vadd.s32 v10, v33;
	_ =	sdelay $0x1  }
0x100: {  	v32 =	vadd.s32 v10, v32;
	_ =	sdelay $0x2  }
0x101: {  	[tilespmem:s4], [sflag:$0x1] =	stream.indirect_vreg.gather [hbm4b:s1+s14], $0x80, v33, vm0, $0xb8;
	[tilespmem:$0x14480] =	vst v63  }
0x102: {  	_ = 	snop  }
0x103: {  	[tilespmem:s6], [sflag:$0x1] =	stream.indirect_vreg.gather [hbm4b:s1+s14], $0x80, v32, vm0, $0xb8;
	[tilespmem:$0x14480] =	vst v63  }
0x104: {  	v32 =	vld [tilespmem:$0x420];
	_ =	sdelay $0x4  }
0x105: {  	v57 =	vshll.u32 v32, $0x1  }
0x106: {  	v32 =	vand.u32 $0x7, v32;
	v33 =	vand.u32 $0xFFFFFFF0, v57  }
0x107: {  	v32 =	vor.u32 v32, v33  }
0x108: {  	v33 =	vperm.xlane v32, v9;
	_ =	sdelay $0x1  }
0x109: {  	v32 =	vperm.xlane v32, v11;
	v33 =	vadd.s32 v10, v33;
	_ =	sdelay $0x1  }
0x10a: {  	v32 =	vadd.s32 v10, v32;
	_ =	sdelay $0x2  }
0x10b: {  	[tilespmem:s7], [sflag:$0x1] =	stream.indirect_vreg.gather [hbm4b:s1+s14], $0x80, v33, vm0, $0xb8;
	[tilespmem:$0x14480] =	vst v63  }
0x10c: {  	_ = 	snop  }
0x10d: {  	[tilespmem:s2], [sflag:$0x1] =	stream.indirect_vreg.gather [hbm4b:s1+s14], $0x80, v32, vm0, $0xb8;
	[tilespmem:$0x14480] =	vst v63  }
0x10e: {  	v32 =	vld.msk [tilespmem:$0x430], $0xff;
	_ =	sdelay $0x4  }
0x10f: {  	v58 =	vshll.u32 v32, $0x1  }
0x110: {  	v32 =	vand.u32 $0x7, v32;
	v33 =	vand.u32 $0xFFFFFFF0, v58  }
0x111: {  	v32 =	vor.u32 v32, v33  }
0x112: {  	v32 =	vperm.xlane v32, v9;
	_ =	sdelay $0x1  }
0x113: {  	v32 =	vadd.s32 v10, v32;
	_ =	sdelay $0x4  }
0x114: {  	[tilespmem:s3], [sflag:$0x1] =	stream.indirect_vreg.gather [hbm4b:s1+s14], $0x80, v32, vm0, $0xb8;
	[tilespmem:$0x14480] =	vst v63  }
0x115: {  	_ =	swait.ge [sflag:s10], $0x3800  }
0x116: {  	[sflag:s10] =	ssyncset.done $0x0  }
0x117: {  	[sflag:s10] =	ssyncadd.s32 $0xFFFFC800  }
0x118: {  	v59 =	vmov s14;
	_ =	swait.ge [sflag:s10], $0x3800  }
0x119: {  	v60 =	vshll.u32 v59, $0x3;
	[sflag:s10] =	ssyncset.done $0x0  }
0x11a: {  	v33 =	vand.u32 $0x400, v60;
	v32 =	vand.u32 $0x7F, v59;
	[sflag:s10] =	ssyncadd.s32 $0xFFFFC800  }
0x11b: {  	v32 =	vor.u32 v33, v32;
	_ =	swait.ge [sflag:s10], $0x3800  }
0x11c: {  	v33 =	vor.u32 v12, v32;
	[sflag:s10] =	ssyncset.done $0x0  }
0x11d: {  	[sflag:s10] =	ssyncadd.s32 $0xFFFFC800  }
0x11e: {  	_ =	swait.ge [sflag:s10], $0x3800  }
0x11f: {  	v31 =	vcvt.s32.f32 v31;
	v30 =	vcvt.s32.f32 v30;
	[sflag:s10] =	ssyncset.done $0x0  }
0x120: {  	[sflag:s10] =	ssyncadd.s32 $0xFFFFC800  }
0x121: {  	v29 =	vsub.f32 v29, v31;
	v28 =	vsub.f32 v28, v30;
	v61 =	vld.idx.msk [tilespmem:v33+s9+$0x0], $0xffff  }
0x122: {  	v62 =	vld.idx.msk [tilespmem:v33+s16+$0x0], $0xffff  }
0x123: {  	v30 =	vsub.f32 $1.000000000e+00, v28;
	v63 =	vsub.f32 $1.000000000e+00, v29  }
0x124: {  	v34 =	vld.idx.msk [tilespmem:v33+s23+$0x0], $0xffff  }
0x125: {  	v31 =	vmul.f32 v63, v30;
	v32 =	vmul.f32 v29, v30  }
0x126: {  	s15 =	simm.s32 $0x1;
	v30 =	vmul.f32 v63, v28;
	v29 =	vmul.f32 v29, v28;
	v33 =	vld.idx.msk [tilespmem:v33+s31+$0x0], $0xffff  }
0x127: {  	v28 =	vmov s15;
	v35 =	vmul.f32 v61, v31;
	v37 =	vmul.f32 v62, v32  }
0x128: {  	s17 =	simm.s32 $0x2;
	v36 =	vand.u32 $0x7F, v28;
	v38 =	vshll.u32 v28, $0x3;
	v28 =	vmul.u32 $0x100, v8  }
.LBB2_4:
0x129: {  	p0 =	sne.s32 s17, $0xFF;
	v38 =	vand.u32 $0x400, v38;
	v35 =	vadd.f32 v37, v35;
	v34 =	vmul.f32 v34, v30  }
0x12a: {  	v37 =	vor.u32 s14, v28;
	s14 =	smov.u32 s15;
	s15 =	smov.u32 s17;
	v36 =	vor.u32 v38, v36  }
0x12b: {  	v33 =	vmul.f32 v33, v29;
	v36 =	vor.u32 v12, v36;
	v34 =	vadd.f32 v34, v35;
	_ =	sdelay $0x1  }
0x12c: {  	v33 =	vadd.f32 v33, v34;
	_ =	sdelay $0x1  }
0x12d: {  	[tilespmem:v37+s11+$0x0] =	vst.idx.msk $0xffff, v33  }
0x12e: {  	v35 =	vld.idx.msk [tilespmem:v36+s9+$0x0], $0xffff  }
0x12f: {  	v37 =	vld.idx.msk [tilespmem:v36+s16+$0x0], $0xffff;
	_ =	sdelay $0x1  }
0x130: {  	v34 =	vld.idx.msk [tilespmem:v36+s23+$0x0], $0xffff  }
.Ltmp5:
0x131: {  	(pc) =	sbr.rel @p0 .LBB2_4-.Ltmp5, $3  }
0x132: {  	v33 =	vld.idx.msk [tilespmem:v36+s31+$0x0], $0xffff;
	_ =	sdelay $0x1  }
0x133: {  	v38 =	vmov s17;
	v35 =	vmul.f32 v35, v31;
	v37 =	vmul.f32 v37, v32  }
0x134: {  	s17 =	sadd.s32 $0x1, s17;
	v36 =	vand.u32 $0x7F, v38;
	v38 =	vshll.u32 v38, $0x3  }
0x135: {  	v38 =	vand.u32 $0x400, v38;
	v35 =	vadd.f32 v37, v35;
	v34 =	vmul.f32 v34, v30  }
0x136: {  	v58 =	vor.u32 s14, v28;
	v36 =	vor.u32 v38, v36  }
0x137: {  	v33 =	vmul.f32 v33, v29;
	v36 =	vor.u32 v12, v36;
	v34 =	vadd.f32 v34, v35;
	_ =	sdelay $0x1  }
0x138: {  	v33 =	vadd.f32 v33, v34;
	_ =	sdelay $0x1  }
0x139: {  	[tilespmem:v58+s11+$0x0] =	vst.idx.msk $0xffff, v33  }
0x13a: {  	v33 =	vld.idx.msk [tilespmem:v36+s9+$0x0], $0xffff  }
0x13b: {  	v59 =	vld.idx.msk [tilespmem:v36+s16+$0x0], $0xffff  }
0x13c: {  	v60 =	vld.idx.msk [tilespmem:v36+s23+$0x0], $0xffff;
	_ =	sdelay $0x2  }
0x13d: {  	s14 =	simm.s32 $0x0;
	v36 =	vld.idx.msk [tilespmem:v36+s31+$0x0], $0xffff  }
0x13e: {  	v61 =	vmov s14;
	v31 =	vmul.f32 v33, v31;
	v32 =	vmul.f32 v59, v32  }
0x13f: {  	v62 =	vshll.u32 v61, $0x3;
	v30 =	vmul.f32 v60, v30  }
0x140: {  	v33 =	vand.u32 $0x7F, v61;
	v31 =	vadd.f32 v32, v31;
	v32 =	vand.u32 $0x400, v62  }
0x141: {  	v63 =	vor.u32 s15, v28;
	v32 =	vor.u32 v32, v33  }
0x142: {  	v29 =	vmul.f32 v36, v29;
	v30 =	vadd.f32 v30, v31;
	v33 =	vor.u32 v13, v32  }
0x143: {  	v26 =	vcvt.s32.f32 v26  }
0x144: {  	v27 =	vcvt.s32.f32 v27;
	v29 =	vadd.f32 v29, v30  }
0x145: {  	v24 =	vsub.f32 v24, v26  }
0x146: {  	[tilespmem:v63+s11+$0x0] =	vst.idx.msk $0xffff, v29;
	v29 =	vsub.f32 v25, v27  }
0x147: {  	v25 =	vsub.f32 $1.000000000e+00, v24;
	v30 =	vld.idx.msk [tilespmem:v33+s9+$0x0], $0xffff  }
0x148: {  	v34 =	vld.idx.msk [tilespmem:v33+s16+$0x0], $0xffff;
	v31 =	vsub.f32 $1.000000000e+00, v29  }
0x149: {  	v27 =	vmul.f32 v29, v25  }
0x14a: {  	v26 =	vmul.f32 v31, v25;
	v25 =	vmul.f32 v31, v24;
	v31 =	vld.idx.msk [tilespmem:v33+s23+$0x0], $0xffff;
	_ =	sdelay $0x1  }
0x14b: {  	s15 =	simm.s32 $0x1;
	v32 =	vmul.f32 v30, v26;
	v30 =	vld.idx.msk [tilespmem:v33+s31+$0x0], $0xffff  }
0x14c: {  	v24 =	vmul.f32 v29, v24;
	v29 =	vmov s15;
	v34 =	vmul.f32 v34, v27  }
0x14d: {  	s17 =	simm.s32 $0x2;
	v35 =	vshll.u32 v29, $0x3;
	v33 =	vand.u32 $0x7F, v29;
	v29 =	vor.u32 $0x1000, v28  }
.LBB2_6:
0x14e: {  	p0 =	sne.s32 s17, $0xFF;
	v35 =	vand.u32 $0x400, v35;
	v32 =	vadd.f32 v34, v32;
	v31 =	vmul.f32 v31, v25  }
0x14f: {  	v34 =	vor.u32 s14, v29;
	s14 =	smov.u32 s15;
	s15 =	smov.u32 s17;
	v33 =	vor.u32 v35, v33  }
0x150: {  	v30 =	vmul.f32 v30, v24;
	v33 =	vor.u32 v13, v33;
	v31 =	vadd.f32 v31, v32;
	_ =	sdelay $0x1  }
0x151: {  	v30 =	vadd.f32 v30, v31;
	_ =	sdelay $0x1  }
0x152: {  	[tilespmem:v34+s11+$0x0] =	vst.idx.msk $0xffff, v30  }
0x153: {  	v32 =	vld.idx.msk [tilespmem:v33+s9+$0x0], $0xffff  }
0x154: {  	v34 =	vld.idx.msk [tilespmem:v33+s16+$0x0], $0xffff;
	_ =	sdelay $0x1  }
0x155: {  	v31 =	vld.idx.msk [tilespmem:v33+s23+$0x0], $0xffff  }
.Ltmp6:
0x156: {  	(pc) =	sbr.rel @p0 .LBB2_6-.Ltmp6, $3  }
0x157: {  	v30 =	vld.idx.msk [tilespmem:v33+s31+$0x0], $0xffff;
	_ =	sdelay $0x1  }
0x158: {  	v35 =	vmov s17;
	v32 =	vmul.f32 v32, v26;
	v34 =	vmul.f32 v34, v27  }
0x159: {  	s17 =	sadd.s32 $0x1, s17;
	v33 =	vand.u32 $0x7F, v35;
	v35 =	vshll.u32 v35, $0x3  }
0x15a: {  	v35 =	vand.u32 $0x400, v35;
	v32 =	vadd.f32 v34, v32;
	v31 =	vmul.f32 v31, v25  }
0x15b: {  	v62 =	vor.u32 s14, v29;
	v33 =	vor.u32 v35, v33  }
0x15c: {  	v30 =	vmul.f32 v30, v24;
	v33 =	vor.u32 v13, v33;
	v31 =	vadd.f32 v31, v32;
	_ =	sdelay $0x1  }
0x15d: {  	v30 =	vadd.f32 v30, v31;
	_ =	sdelay $0x1  }
0x15e: {  	[tilespmem:v62+s11+$0x0] =	vst.idx.msk $0xffff, v30  }
0x15f: {  	v30 =	vld.idx.msk [tilespmem:v33+s9+$0x0], $0xffff  }
0x160: {  	v31 =	vld.idx.msk [tilespmem:v33+s16+$0x0], $0xffff;
	_ =	sdelay $0x2  }
0x161: {  	v63 =	vld.idx.msk [tilespmem:v33+s23+$0x0], $0xffff;
	_ =	sdelay $0x1  }
0x162: {  	s14 =	simm.s32 $0x0;
	v33 =	vld.idx.msk [tilespmem:v33+s31+$0x0], $0xffff;
	v26 =	vmul.f32 v30, v26;
	v27 =	vmul.f32 v31, v27  }
0x163: {  	v30 =	vmov s14  }
0x164: {  	v26 =	vadd.f32 v27, v26;
	v27 =	vshll.u32 v30, $0x3  }
0x165: {  	v25 =	vmul.f32 v63, v25;
	v30 =	vand.u32 $0x7F, v30;
	v27 =	vand.u32 $0x400, v27  }
0x166: {  	v29 =	vor.u32 s15, v29;
	v27 =	vor.u32 v27, v30  }
0x167: {  	v24 =	vmul.f32 v33, v24;
	v25 =	vadd.f32 v25, v26;
	v31 =	vor.u32 v14, v27  }
0x168: {  	v22 =	vcvt.s32.f32 v22  }
0x169: {  	v23 =	vcvt.s32.f32 v23;
	v24 =	vadd.f32 v24, v25  }
0x16a: {  	v20 =	vsub.f32 v20, v22  }
0x16b: {  	[tilespmem:v29+s11+$0x0] =	vst.idx.msk $0xffff, v24;
	v24 =	vsub.f32 v21, v23  }
0x16c: {  	v21 =	vsub.f32 $1.000000000e+00, v20;
	v25 =	vld.idx.msk [tilespmem:v31+s9+$0x0], $0xffff  }
0x16d: {  	v29 =	vld.idx.msk [tilespmem:v31+s16+$0x0], $0xffff;
	v26 =	vsub.f32 $1.000000000e+00, v24  }
0x16e: {  	v23 =	vmul.f32 v24, v21  }
0x16f: {  	v22 =	vmul.f32 v26, v21;
	v21 =	vmul.f32 v26, v20;
	v26 =	vld.idx.msk [tilespmem:v31+s23+$0x0], $0xffff;
	_ =	sdelay $0x1  }
0x170: {  	s15 =	simm.s32 $0x1;
	v27 =	vmul.f32 v25, v22;
	v25 =	vld.idx.msk [tilespmem:v31+s31+$0x0], $0xffff  }
0x171: {  	v20 =	vmul.f32 v24, v20;
	v24 =	vmov s15;
	v30 =	vmul.f32 v29, v23  }
0x172: {  	s17 =	simm.s32 $0x2;
	v29 =	vand.u32 $0x7F, v24;
	v31 =	vshll.u32 v24, $0x3;
	v24 =	vor.u32 $0x2000, v28  }
.LBB2_8:
0x173: {  	p0 =	sne.s32 s17, $0xFF;
	v31 =	vand.u32 $0x400, v31;
	v27 =	vadd.f32 v30, v27;
	v26 =	vmul.f32 v26, v21  }
0x174: {  	v30 =	vor.u32 s14, v24;
	s14 =	smov.u32 s15;
	s15 =	smov.u32 s17;
	v29 =	vor.u32 v31, v29  }
0x175: {  	v25 =	vmul.f32 v25, v20;
	v29 =	vor.u32 v14, v29;
	v26 =	vadd.f32 v26, v27;
	_ =	sdelay $0x1  }
0x176: {  	v25 =	vadd.f32 v25, v26;
	_ =	sdelay $0x1  }
0x177: {  	[tilespmem:v30+s11+$0x0] =	vst.idx.msk $0xffff, v25  }
0x178: {  	v27 =	vld.idx.msk [tilespmem:v29+s9+$0x0], $0xffff  }
0x179: {  	v30 =	vld.idx.msk [tilespmem:v29+s16+$0x0], $0xffff;
	_ =	sdelay $0x1  }
0x17a: {  	v26 =	vld.idx.msk [tilespmem:v29+s23+$0x0], $0xffff  }
.Ltmp7:
0x17b: {  	(pc) =	sbr.rel @p0 .LBB2_8-.Ltmp7, $3  }
0x17c: {  	v25 =	vld.idx.msk [tilespmem:v29+s31+$0x0], $0xffff;
	_ =	sdelay $0x1  }
0x17d: {  	v31 =	vmov s17;
	v27 =	vmul.f32 v27, v22;
	v30 =	vmul.f32 v30, v23  }
0x17e: {  	s17 =	sadd.s32 $0x1, s17;
	v29 =	vand.u32 $0x7F, v31;
	v31 =	vshll.u32 v31, $0x3  }
0x17f: {  	v31 =	vand.u32 $0x400, v31;
	v27 =	vadd.f32 v30, v27;
	v26 =	vmul.f32 v26, v21  }
0x180: {  	v63 =	vor.u32 s14, v24;
	v29 =	vor.u32 v31, v29  }
0x181: {  	v25 =	vmul.f32 v25, v20;
	v29 =	vor.u32 v14, v29;
	v26 =	vadd.f32 v26, v27;
	_ =	sdelay $0x1  }
0x182: {  	v25 =	vadd.f32 v25, v26;
	_ =	sdelay $0x1  }
0x183: {  	[tilespmem:v63+s11+$0x0] =	vst.idx.msk $0xffff, v25  }
0x184: {  	v25 =	vld.idx.msk [tilespmem:v29+s9+$0x0], $0xffff  }
0x185: {  	v26 =	vld.idx.msk [tilespmem:v29+s16+$0x0], $0xffff;
	_ =	sdelay $0x2  }
0x186: {  	v27 =	vld.idx.msk [tilespmem:v29+s23+$0x0], $0xffff;
	_ =	sdelay $0x1  }
0x187: {  	s14 =	simm.s32 $0x0;
	v29 =	vld.idx.msk [tilespmem:v29+s31+$0x0], $0xffff;
	v22 =	vmul.f32 v25, v22;
	v23 =	vmul.f32 v26, v23  }
0x188: {  	v25 =	vmov s14  }
0x189: {  	v22 =	vadd.f32 v23, v22;
	v23 =	vshll.u32 v25, $0x3  }
0x18a: {  	v21 =	vmul.f32 v27, v21;
	v25 =	vand.u32 $0x7F, v25;
	v23 =	vand.u32 $0x400, v23  }
0x18b: {  	v24 =	vor.u32 s15, v24;
	v23 =	vor.u32 v23, v25  }
0x18c: {  	v20 =	vmul.f32 v29, v20;
	v21 =	vadd.f32 v21, v22;
	v26 =	vor.u32 v15, v23  }
0x18d: {  	v18 =	vcvt.s32.f32 v18  }
0x18e: {  	v19 =	vcvt.s32.f32 v19;
	v20 =	vadd.f32 v20, v21  }
0x18f: {  	v16 =	vsub.f32 v16, v18  }
0x190: {  	[tilespmem:v24+s11+$0x0] =	vst.idx.msk $0xffff, v20;
	v20 =	vsub.f32 v17, v19  }
0x191: {  	v17 =	vsub.f32 $1.000000000e+00, v16;
	v21 =	vld.idx.msk [tilespmem:v26+s9+$0x0], $0xffff  }
0x192: {  	v24 =	vld.idx.msk [tilespmem:v26+s16+$0x0], $0xffff;
	v22 =	vsub.f32 $1.000000000e+00, v20  }
0x193: {  	v19 =	vmul.f32 v20, v17  }
0x194: {  	v18 =	vmul.f32 v22, v17;
	v17 =	vmul.f32 v22, v16;
	v22 =	vld.idx.msk [tilespmem:v26+s23+$0x0], $0xffff;
	_ =	sdelay $0x1  }
0x195: {  	s15 =	simm.s32 $0x1;
	v23 =	vmul.f32 v21, v18;
	v21 =	vld.idx.msk [tilespmem:v26+s31+$0x0], $0xffff  }
0x196: {  	v16 =	vmul.f32 v20, v16;
	v20 =	vmov s15;
	v25 =	vmul.f32 v24, v19  }
0x197: {  	s17 =	simm.s32 $0x2;
	v24 =	vand.u32 $0x7F, v20;
	v26 =	vshll.u32 v20, $0x3;
	v20 =	vor.u32 $0x3000, v28  }
.LBB2_10:
0x198: {  	p0 =	sne.s32 s17, $0xFF;
	v26 =	vand.u32 $0x400, v26;
	v23 =	vadd.f32 v25, v23;
	v22 =	vmul.f32 v22, v17  }
0x199: {  	v25 =	vor.u32 s14, v20;
	s14 =	smov.u32 s15;
	s15 =	smov.u32 s17;
	v24 =	vor.u32 v26, v24  }
0x19a: {  	v21 =	vmul.f32 v21, v16;
	v24 =	vor.u32 v15, v24;
	v22 =	vadd.f32 v22, v23;
	_ =	sdelay $0x1  }
0x19b: {  	v21 =	vadd.f32 v21, v22;
	_ =	sdelay $0x1  }
0x19c: {  	[tilespmem:v25+s11+$0x0] =	vst.idx.msk $0xffff, v21  }
0x19d: {  	v23 =	vld.idx.msk [tilespmem:v24+s9+$0x0], $0xffff  }
0x19e: {  	v25 =	vld.idx.msk [tilespmem:v24+s16+$0x0], $0xffff;
	_ =	sdelay $0x1  }
0x19f: {  	v22 =	vld.idx.msk [tilespmem:v24+s23+$0x0], $0xffff  }
.Ltmp8:
0x1a0: {  	(pc) =	sbr.rel @p0 .LBB2_10-.Ltmp8, $3  }
0x1a1: {  	v21 =	vld.idx.msk [tilespmem:v24+s31+$0x0], $0xffff;
	_ =	sdelay $0x1  }
0x1a2: {  	v26 =	vmov s17;
	v23 =	vmul.f32 v23, v18;
	v25 =	vmul.f32 v25, v19  }
0x1a3: {  	s17 =	sadd.s32 $0x1, s17;
	v24 =	vand.u32 $0x7F, v26;
	v26 =	vshll.u32 v26, $0x3  }
0x1a4: {  	v26 =	vand.u32 $0x400, v26;
	v23 =	vadd.f32 v25, v23;
	v22 =	vmul.f32 v22, v17  }
0x1a5: {  	v60 =	vor.u32 s14, v20;
	v24 =	vor.u32 v26, v24  }
0x1a6: {  	v21 =	vmul.f32 v21, v16;
	v24 =	vor.u32 v15, v24;
	v22 =	vadd.f32 v22, v23;
	_ =	sdelay $0x1  }
0x1a7: {  	v21 =	vadd.f32 v21, v22;
	_ =	sdelay $0x1  }
0x1a8: {  	[tilespmem:v60+s11+$0x0] =	vst.idx.msk $0xffff, v21  }
0x1a9: {  	v21 =	vld.idx.msk [tilespmem:v24+s9+$0x0], $0xffff  }
0x1aa: {  	v61 =	vld.idx.msk [tilespmem:v24+s16+$0x0], $0xffff;
	_ =	sdelay $0x1  }
0x1ab: {  	v62 =	vld.idx.msk [tilespmem:v24+s23+$0x0], $0xffff;
	_ =	sdelay $0x1  }
0x1ac: {  	v24 =	vld.idx.msk [tilespmem:v24+s31+$0x0], $0xffff  }
0x1ad: {  	v18 =	vmul.f32 v21, v18;
	v19 =	vmul.f32 v61, v19;
	_ =	sdelay $0x1  }
0x1ae: {  	v17 =	vmul.f32 v62, v17;
	v18 =	vadd.f32 v19, v18  }
0x1af: {  	v63 =	vor.u32 s15, v20  }
0x1b0: {  	v16 =	vmul.f32 v24, v16;
	v17 =	vadd.f32 v17, v18;
	_ =	sdelay $0x1  }
0x1b1: {  	s13 =	smul.u32 $0x620, s13;
	v16 =	vadd.f32 v16, v17  }
0x1b2: {  	s15 =	rddreg [dreg:$0x2]  }
.Ltmp9:
0x1b3: {  	s17 =	simm.s32 $0x0;
	s13 =	sadd.s32 s15, s13;
	[tilespmem:v63+s11+$0x0] =	vst.idx.msk $0xffff, v16;
	(pc) =	sbr.rel .LBB2_12-.Ltmp9, $4  }
0x1b4: {  	[hbm4b:s13+s17] =	stream.linear.scatter [tilespmem:s11], [sflag:$0x2], $0x3100, $0x38;
	[tilespmem:$0x14480] =	vst v63  }
0x1b5: {  	_ =	swait.ge [sflag:s8], $0x3100  }
0x1b6: {  	[sflag:s8] =	ssyncset.done $0x0  }
0x1b7: {  	[sflag:s8] =	ssyncadd.s32 $0xFFFFCF00  }
.LBB2_14:
0x1b8: {  	_ =	sfence.sel $0x180000  }
0x1b9: {  	[bflag:$0x0] =	sbarrier.arrive $0xFFFF  }
0x1ba: {  	_ =	strace $0x90000047  }
0x1bb: {  	s0 =	stileid.u32;
	[bflag:$0x2] =	sbarrier.arrive $0xFFFF  }
0x1bc: {  	p0 =	sne.s32 s0, $0x0;
	s0 =	rddreg [dreg:$0x3]  }
0x1bd: {  	s0 =	sadd.s32 @!p0 $0x100000, s0  }
0x1be: {  	[sflag:s0] =	ssyncadd.tile.s32 @!p0 $0x1;
	_ =	shalt  }
.Lfunc_end2:
_tile_overlayer_lowered:
.L_overlay_start_2:
0x1bf: {  	(tag) =	ssettag $0x2  }
0x1c0: {  	s0 =	rddreg [dreg:$0x0];
	s2 =	stileid.u32  }
0x1c1: {  	s1 =	rddreg [dreg:$0x1];
	p0 =	sne.s32 s2, $0x0  }
0x1c2: {  	s3 =	rddreg [dreg:$0x2];
	[bflag:$0x3] =	sbarrier.arrive $0xFFFF;
	s2 =	simm.s32 @!p0 $0x1C02  }
0x1c3: {  	[timem:s3], [sflag:s2] =	dma.local @!p0 [hbm:s0], s1  }
0x1c4: {  	s0 =	simm.s32 @!p0 $0x2  }
0x1c5: {  	_ =	swait.ge @!p0 [sflag:s0], s1  }
0x1c6: {  	s1 =	ssub.s32 @!p0 $0x0, s1;
	[sflag:s0] =	ssyncset.done @!p0 $0x0  }
0x1c7: {  	[sflag:s0] =	ssyncadd.s32 @!p0 s1  }
0x1c8: {  	[bflag:$0x3] =	sbarrier.arrive $0xFFFF  }
0x1c9: {  	_ =	shalt  }

</sc_bundles>
